<compile_context>
chip_gen: v7x
topology: tpu7x:2x2x1
jax: 0.10.2.dev20260603
libtpu: 0.0.44.dev20260713+nightly
codegen_flags: <defaults>
</compile_context>

<pallas_src>
import functools

import jax
import jax.numpy as jnp
from jax import lax
from jax.experimental import pallas as pl
from jax.experimental.pallas import tpu as pltpu
from jax.experimental.pallas import tpu_sc as plsc

NUM_GRAPHS = 1024
MAX_DEPTH = 32
NW = 32


def _depthmax_sc_body(batch_hbm, depth_hbm, out_hbm, bch, dch, acc, *,
                      G, PER, CP, NG):
    wid = lax.axis_index("s") * 2 + lax.axis_index("c")
    base = wid * PER
    a = (base // 8) * 8
    lead = base - a
    pltpu.sync_copy(batch_hbm.at[pl.ds(a, CP)], bch)
    pltpu.sync_copy(depth_hbm.at[pl.ds(a, CP)], dch)

    neg1 = jnp.full((16,), -1, jnp.int32)

    def initb(j, c):
        for k in range(8):
            acc[pl.ds(j * 128 + k * 16, 16)] = neg1
        return c

    lax.fori_loop(0, G * 2 // 16, initb, 0)
    iota = lax.broadcasted_iota(jnp.int32, (16,), 0)
    stripe = iota * G

    def body(g, c):
        o = g * 16
        b = bch[pl.ds(o, 16)]
        d = dch[pl.ds(o, 16)]
        gi = o + iota
        valid = (gi >= lead) & (gi < lead + PER)
        bcl = jnp.clip(jnp.where(valid, b, 0), 0, G - 1)
        idx = stripe + bcl
        old = plsc.load_gather(acc, [idx], mask=valid)
        neww = jnp.maximum(old, jnp.where(valid, d, -1))
        plsc.store_scatter(acc, [idx], neww, mask=valid)
        return c

    lax.fori_loop(0, NG, body, 0)

    def mergeb(j, c):
        m = acc[pl.ds(j * 16, 16)]
        for l in range(1, 16):
            m = jnp.maximum(m, acc[pl.ds(l * G + j * 16, 16)])
        acc[pl.ds(j * 16, 16)] = m
        return c

    lax.fori_loop(0, G // 16, mergeb, 0)
    pltpu.sync_copy(acc.at[pl.ds(0, G)], out_hbm.at[wid])


def _depthmax_sc(batch_i, depth_i, G):
    N = batch_i.shape[0]
    PER = N // NW
    NG = (PER + 7 + 15) // 16
    CP = NG * 16
    amax = ((NW - 1) * PER // 8) * 8
    pad = amax + CP - N
    batch_p = jnp.concatenate(
        [batch_i, jnp.full((pad,), 1 << 20, jnp.int32)])
    depth_p = jnp.concatenate([depth_i, jnp.zeros((pad,), jnp.int32)])
    mesh = plsc.VectorSubcoreMesh(core_axis_name="c", subcore_axis_name="s")
    return pl.kernel(
        functools.partial(_depthmax_sc_body, G=G, PER=PER, CP=CP, NG=NG),
        out_type=jax.ShapeDtypeStruct((NW, G), jnp.int32),
        mesh=mesh,
        compiler_params=pltpu.CompilerParams(needs_layout_passes=False),
        scratch_types=[
            pltpu.VMEM((CP,), jnp.int32),
            pltpu.VMEM((CP,), jnp.int32),
            pltpu.VMEM((16 * G,), jnp.int32),
        ],
    )(batch_p, depth_p)


def _pick_block(n):
    for k in (4000, 2048, 2000, 1600, 1280, 1024, 1000, 800, 640, 512, 500, 400, 256, 200, 160, 128, 100, 80, 64, 50, 40, 32, 16, 8):
        if n % k == 0 and k % 8 == 0:
            return k
    return n


def _accum_body(g0_ref, g1_ref, h_ref, b_ref, mc_ref, w1_ref, b1_ref,
                w2_ref, b2_ref, acc_ref, *, G, K, L, W):
    i = pl.program_id(0)
    hb = h_ref[...]
    hb16 = hb.astype(jnp.bfloat16)
    hidden = jnp.tanh(
        jnp.dot(hb16, w1_ref[...],
                preferred_element_type=jnp.float32) + b1_ref[...])
    sc = (jnp.dot(hidden.astype(jnp.bfloat16), w2_ref[...],
                  preferred_element_type=jnp.float32)
          + b2_ref[...])
    mcol = mc_ref[...]
    brow = b_ref[0]

    e_cols = [jnp.exp(sc[:, j:j + 1]).astype(jnp.bfloat16) for j in range(4)]
    m16 = mcol.astype(jnp.bfloat16)
    pieces = [ec * hb16 for ec in e_cols] + [m16 * hb16] + e_cols + [m16]
    data = jnp.concatenate(pieces, axis=1)

    bmin = g0_ref[i]
    bmax = g1_ref[i]
    g0a = jnp.minimum((bmin // 8) * 8, G - L)
    ok = bmax < g0a + L

    @pl.when(i == 0)
    def _init():
        acc_ref[...] = jnp.zeros((G, W), jnp.float32)

    @pl.when(ok)
    def _local():
        lcol = jax.lax.broadcasted_iota(jnp.int32, (L, 1), 0) + g0a
        oh = (lcol == brow)
        contrib = jnp.dot(oh.astype(jnp.bfloat16), data,
                          preferred_element_type=jnp.float32)
        acc_ref[pl.ds(g0a, L), :] += contrib

    @pl.when(jnp.logical_not(ok))
    def _full():
        gcol = jax.lax.broadcasted_iota(jnp.int32, (G, 1), 0)
        oh = (gcol == brow)
        contrib = jnp.dot(oh.astype(jnp.bfloat16), data,
                          preferred_element_type=jnp.float32)
        acc_ref[...] += contrib


def _finish_body(acc_ref, dp_ref, pW_ref, pb_ref, de_ref, fW1_ref, fb1_ref,
                 fW2_ref, fb2_ref, g_ref, be_ref, out_ref, *, G, D):
    acc = acc_ref[...]
    heads = []
    for j in range(4):
        num = acc[:, j * D:(j + 1) * D]
        den = acc[:, 5 * D + j:5 * D + j + 1]
        den = jnp.where(den == 0.0, 1.0, den)
        heads.append(num / den)
    hcat = jnp.concatenate(heads, axis=1)
    hg = jnp.dot(hcat, pW_ref[...],
                 preferred_element_type=jnp.float32) + pb_ref[...]
    hb = acc[:, 4 * D:5 * D] / (acc[:, 5 * D + 4:5 * D + 5] + 1e-8)

    mdrow = jnp.max(dp_ref[...], axis=0, keepdims=True)
    mdrow = jnp.clip(jnp.maximum(mdrow, 0), 0, MAX_DEPTH - 1)
    kcol = jax.lax.broadcasted_iota(jnp.int32, (MAX_DEPTH, 1), 0)
    ohdT = (kcol == mdrow).astype(jnp.float32)
    denc = jax.lax.dot_general(
        ohdT, de_ref[...], (((0,), (0,)), ((), ())),
        preferred_element_type=jnp.float32)

    fused = jnp.concatenate([hg, hb, denc], axis=1)
    x = jnp.dot(fused, fW1_ref[...],
                preferred_element_type=jnp.float32) + fb1_ref[...]
    x = 0.5 * x * (1.0 + jax.lax.erf(x * 0.7071067811865476))
    x = jnp.dot(x, fW2_ref[...],
                preferred_element_type=jnp.float32) + fb2_ref[...]
    mu = jnp.mean(x, axis=-1, keepdims=True)
    var = jnp.mean((x - mu) ** 2, axis=-1, keepdims=True)
    out_ref[...] = (x - mu) / jnp.sqrt(var + 1e-5) * g_ref[...] + be_ref[...]


def kernel(h, batch, is_branch, depth, aW1, ab1, aW2, ab2, pW, pb, depth_embed,
           fW1, fb1, fW2, fb2, gamma, beta):
    N, D = h.shape
    H, _, dh = aW1.shape
    G = NUM_GRAPHS
    K = _pick_block(N)
    NB = N // K
    W = 5 * D + 5

    L = 64

    w1cat = jnp.transpose(aW1, (1, 0, 2)).reshape(D, H * dh).astype(jnp.bfloat16)
    b1row = ab1.reshape(1, H * dh)
    rows = jnp.arange(H * dh)
    w2p = jnp.zeros((H * dh, 128), jnp.float32).at[rows, rows // dh].set(
        aW2.reshape(H * dh)).astype(jnp.bfloat16)
    b2row = jnp.zeros((1, 128), jnp.float32).at[0, :H].set(ab2[:, 0])

    batch_i = batch.astype(jnp.int32)
    batch_r = batch_i.reshape(NB, 1, K)
    maskc = is_branch.astype(jnp.float32).reshape(N, 1)
    g0s = batch_i[0::K]
    g1s = batch_i[K - 1::K]

    dpart = _depthmax_sc(batch_i, depth.astype(jnp.int32), G)

    acc = pl.pallas_call(
        functools.partial(_accum_body, G=G, K=K, L=L, W=W),
        grid_spec=pltpu.PrefetchScalarGridSpec(
            num_scalar_prefetch=2,
            grid=(NB,),
            in_specs=[
                pl.BlockSpec((K, D), lambda i, *_: (i, 0)),
                pl.BlockSpec((1, 1, K), lambda i, *_: (i, 0, 0)),
                pl.BlockSpec((K, 1), lambda i, *_: (i, 0)),
                pl.BlockSpec((D, H * dh), lambda i, *_: (0, 0)),
                pl.BlockSpec((1, H * dh), lambda i, *_: (0, 0)),
                pl.BlockSpec((H * dh, 128), lambda i, *_: (0, 0)),
                pl.BlockSpec((1, 128), lambda i, *_: (0, 0)),
            ],
            out_specs=[
                pl.BlockSpec((G, W), lambda i, *_: (0, 0)),
            ],
        ),
        out_shape=[
            jax.ShapeDtypeStruct((G, W), jnp.float32),
        ],
    )(g0s, g1s, h, batch_r, maskc, w1cat, b1row, w2p, b2row)[0]

    dep_p = jnp.zeros((MAX_DEPTH, 128), jnp.float32).at[:, :depth_embed.shape[1]].set(depth_embed)
    fin = 2 * D + 128
    fW1p = jnp.zeros((fin, fW1.shape[1]), jnp.float32)
    fW1p = fW1p.at[:2 * D].set(fW1[:2 * D])
    fW1p = fW1p.at[2 * D:2 * D + depth_embed.shape[1]].set(fW1[2 * D:])

    out = pl.pallas_call(
        functools.partial(_finish_body, G=G, D=D),
        in_specs=[pl.BlockSpec(x.shape, lambda: tuple(0 for _ in x.shape))
                  for x in (acc, dpart, pW, pb.reshape(1, -1), dep_p, fW1p,
                            fb1.reshape(1, -1), fW2, fb2.reshape(1, -1),
                            gamma.reshape(1, -1), beta.reshape(1, -1))],
        out_specs=pl.BlockSpec((G, fW2.shape[1]), lambda: (0, 0)),
        out_shape=jax.ShapeDtypeStruct((G, fW2.shape[1]), jnp.float32),
    )(acc, dpart, pW, pb.reshape(1, -1), dep_p, fW1p, fb1.reshape(1, -1),
      fW2, fb2.reshape(1, -1), gamma.reshape(1, -1), beta.reshape(1, -1))
    return out

# --- scband reference (transcript-rebuilt; emitter-appended) ---
"""Pipeline reference for scband-glycan-tree-encoder-38259568673205 (READ-ONLY COPY).

The authoritative reference and input builder live on the scoring server;
editing this copy changes nothing except your own understanding.
"""

import jax, jax.numpy as jnp
import numpy as np

D_MODEL = 256
OUTPUT_DIM = 256
NUM_HEADS = 4
MAX_DEPTH = 32
N = 100000
NUM_GRAPHS = 1024


def setup_inputs(seed: int = 0) -> dict:
    key = jax.random.key(seed)
    ks = jax.random.split(key, 12)
    d = D_MODEL
    dh = d // NUM_HEADS
    scale = 0.02
    inp = {}
    inp['h'] = jax.random.normal(ks[0], (N, d), dtype=jnp.float32)
    inp['batch'] = jnp.sort(jax.random.randint(ks[1], (N,), 0, NUM_GRAPHS))
    inp['is_branch'] = jax.random.randint(ks[2], (N,), 0, 2).astype(bool)
    inp['depth'] = jax.random.randint(ks[3], (N,), 0, MAX_DEPTH)
    inp['aW1'] = jax.random.normal(ks[4], (NUM_HEADS, d, dh), dtype=jnp.float32) * scale
    inp['ab1'] = jnp.zeros((NUM_HEADS, dh), dtype=jnp.float32)
    inp['aW2'] = jax.random.normal(ks[5], (NUM_HEADS, dh, 1), dtype=jnp.float32) * scale
    inp['ab2'] = jnp.zeros((NUM_HEADS, 1), dtype=jnp.float32)
    inp['pW'] = jax.random.normal(ks[6], (NUM_HEADS * d, d), dtype=jnp.float32) * scale
    inp['pb'] = jnp.zeros((d,), dtype=jnp.float32)
    inp['depth_embed'] = jax.random.normal(ks[7], (MAX_DEPTH, 8), dtype=jnp.float32) * scale
    inp['fW1'] = jax.random.normal(ks[8], (2 * d + 8, OUTPUT_DIM), dtype=jnp.float32) * scale
    inp['fb1'] = jnp.zeros((OUTPUT_DIM,), dtype=jnp.float32)
    inp['fW2'] = jax.random.normal(ks[9], (OUTPUT_DIM, OUTPUT_DIM), dtype=jnp.float32) * scale
    inp['fb2'] = jnp.zeros((OUTPUT_DIM,), dtype=jnp.float32)
    inp['gamma'] = jnp.ones((OUTPUT_DIM,), dtype=jnp.float32)
    inp['beta'] = jnp.zeros((OUTPUT_DIM,), dtype=jnp.float32)
    return inp


def _layer_norm(x, gamma, beta, eps=1e-5):
    mu = jnp.mean(x, axis=-1, keepdims=True)
    var = jnp.var(x, axis=-1, keepdims=True)
    return (x - mu) / jnp.sqrt(var + eps) * gamma + beta


def reference(h, batch, is_branch, depth, aW1, ab1, aW2, ab2, pW, pb, depth_embed, fW1, fb1, fW2, fb2, gamma, beta):
    num_graphs = NUM_GRAPHS
    head_outputs = []
    for i in range(NUM_HEADS):
        hidden = jnp.tanh(h @ aW1[i] + ab1[i])
        scores = (hidden @ aW2[i] + ab2[i])[:, 0]
        seg_max = jax.ops.segment_max(scores, batch, num_segments=num_graphs)
        e = jnp.exp(scores - seg_max[batch])
        seg_sum = jax.ops.segment_sum(e, batch, num_segments=num_graphs)
        attn = e / seg_sum[batch]
        pooled = jax.ops.segment_sum(attn[:, None] * h, batch, num_segments=num_graphs)
        head_outputs.append(pooled)
    h_global = jnp.concatenate(head_outputs, axis=-1) @ pW + pb
    mask = is_branch.astype(h.dtype)
    hb = jax.ops.segment_sum(h * mask[:, None], batch, num_segments=num_graphs)
    cnt = jax.ops.segment_sum(mask, batch, num_segments=num_graphs)[:, None]
    h_branch = hb / (cnt + 1e-8)
    md = jax.ops.segment_max(depth, batch, num_segments=num_graphs)
    md = jnp.maximum(md, 0)
    md = jnp.clip(md, 0, MAX_DEPTH - 1)
    depth_enc = depth_embed[md]
    fused = jnp.concatenate([h_global, h_branch, depth_enc], axis=-1)
    x = jax.nn.gelu(fused @ fW1 + fb1, approximate=False)
    x = x @ fW2 + fb2
    return _layer_norm(x, gamma, beta)

if __name__ == "__main__":
    import jax
    _d = setup_inputs()
    print(jax.jit(kernel)(*tuple(_d.values())))

</pallas_src>

<mosaic_0001>
#map = affine_map<(d0, d1) -> (0)>
#map1 = affine_map<(d0, d1) -> (0, 0)>
module attributes {stable_mosaic.version = 14 : i64} {
  func.func @_depthmax_sc_body(%arg0: i32, %arg1: i32, %arg2: memref<100008xi32, #tpu.memory_space<hbm>>, %arg3: memref<100008xi32, #tpu.memory_space<hbm>>, %arg4: memref<32x1024xi32, #tpu.memory_space<hbm>>, %arg5: memref<3136xi32, #tpu.memory_space<vmem>>, %arg6: memref<3136xi32, #tpu.memory_space<vmem>>, %arg7: memref<16384xi32, #tpu.memory_space<vmem>>) attributes {dimension_semantics = [#tpu.dimension_semantics<core_parallel>, #tpu.dimension_semantics<subcore_parallel>], iteration_bounds = array<i64: 2, 16>, scalar_prefetch = 0 : i64, scratch_operands = 3 : i64, tpu.core_type = #tpu.core_type<sc_vector_subcore>, window_params = [{transform_indices = #map}, {transform_indices = #map}, {transform_indices = #map1}]} {
    %mul3A = arith.constant 2 : i32
    %mul3A_0 = arith.muli %arg1, %mul3A : i32
    %add3A = arith.addi %mul3A_0, %arg0 : i32
    %mul3A_1 = arith.constant 3125 : i32
    %mul3A_2 = arith.muli %add3A, %mul3A_1 : i32
    %jit3A = arith.constant 8 : i32
    %div3A = arith.divsi %mul3A_2, %jit3A : i32
    %sign3A = arith.constant 0 : i32
    %sign3A_3 = arith.cmpi sgt, %mul3A_2, %sign3A : i32
    %sign3A_4 = arith.extui %sign3A_3 : i1 to i32
    %sign3A_5 = arith.constant 0 : i32
    %sign3A_6 = arith.cmpi slt, %mul3A_2, %sign3A_5 : i32
    %sign3A_7 = arith.extui %sign3A_6 : i1 to i32
    %sign3A_8 = arith.subi %sign3A_4, %sign3A_7 : i32
    %sign3A_9 = arith.constant 0 : i32
    %sign3A_10 = arith.cmpi sgt, %jit3A, %sign3A_9 : i32
    %sign3A_11 = arith.extui %sign3A_10 : i1 to i32
    %sign3A_12 = arith.constant 0 : i32
    %sign3A_13 = arith.cmpi slt, %jit3A, %sign3A_12 : i32
    %sign3A_14 = arith.extui %sign3A_13 : i1 to i32
    %sign3A_15 = arith.subi %sign3A_11, %sign3A_14 : i32
    %ne3A = arith.cmpi ne, %sign3A_8, %sign3A_15 : i32
    %rem3A = arith.remsi %mul3A_2, %jit3A : i32
    %ne3A_16 = arith.constant 0 : i32
    %ne3A_17 = arith.cmpi ne, %rem3A, %ne3A_16 : i32
    %and3A = arith.andi %ne3A, %ne3A_17 : i1
    %sub3A = arith.constant 1 : i32
    %sub3A_18 = arith.subi %div3A, %sub3A : i32
    %select_n3A = arith.select %and3A, %sub3A_18, %div3A : i32
    %mul3A_19 = arith.constant 8 : i32
    %mul3A_20 = arith.muli %select_n3A, %mul3A_19 : i32
    %sub3A_21 = arith.subi %mul3A_2, %mul3A_20 : i32
    "tpu.region"() ({
      %run_scoped3A = tpu.sem_alloc : memref<!tpu.dma_semaphore, #tpu.memory_space<semaphore_mem>>
      %dma_start3A = tpu.memref_slice %arg2[%mul3A_20] : memref<100008xi32, #tpu.memory_space<hbm>> -> memref<3136xi32, #tpu.memory_space<hbm>>
      %dma_start3A_43 = tpu.memref_slice %arg2[%mul3A_20] : memref<100008xi32, #tpu.memory_space<hbm>> -> memref<3136xi32, #tpu.memory_space<hbm>>
      tpu.enqueue_dma source(%dma_start3A_43 : memref<3136xi32, #tpu.memory_space<hbm>>) target(%arg5 : memref<3136xi32, #tpu.memory_space<vmem>>) target_semaphore(%run_scoped3A : memref<!tpu.dma_semaphore, #tpu.memory_space<semaphore_mem>>)
      %dma_wait3A = tpu.memref_slice %arg2[%mul3A_20] : memref<100008xi32, #tpu.memory_space<hbm>> -> memref<3136xi32, #tpu.memory_space<hbm>>
      %dma_wait3A_44 = tpu.memref_slice %arg2[%mul3A_20] : memref<100008xi32, #tpu.memory_space<hbm>> -> memref<3136xi32, #tpu.memory_space<hbm>>
      tpu.wait_dma2 semaphore(%run_scoped3A : memref<!tpu.dma_semaphore, #tpu.memory_space<semaphore_mem>>) src(%dma_wait3A_44 : memref<3136xi32, #tpu.memory_space<hbm>>) dst(%arg5 : memref<3136xi32, #tpu.memory_space<vmem>>)
      tpu.yield
    }) : () -> ()
    "tpu.region"() ({
      %run_scoped3A = tpu.sem_alloc : memref<!tpu.dma_semaphore, #tpu.memory_space<semaphore_mem>>
      %dma_start3A = tpu.memref_slice %arg3[%mul3A_20] : memref<100008xi32, #tpu.memory_space<hbm>> -> memref<3136xi32, #tpu.memory_space<hbm>>
      %dma_start3A_43 = tpu.memref_slice %arg3[%mul3A_20] : memref<100008xi32, #tpu.memory_space<hbm>> -> memref<3136xi32, #tpu.memory_space<hbm>>
      tpu.enqueue_dma source(%dma_start3A_43 : memref<3136xi32, #tpu.memory_space<hbm>>) target(%arg6 : memref<3136xi32, #tpu.memory_space<vmem>>) target_semaphore(%run_scoped3A : memref<!tpu.dma_semaphore, #tpu.memory_space<semaphore_mem>>)
      %dma_wait3A = tpu.memref_slice %arg3[%mul3A_20] : memref<100008xi32, #tpu.memory_space<hbm>> -> memref<3136xi32, #tpu.memory_space<hbm>>
      %dma_wait3A_44 = tpu.memref_slice %arg3[%mul3A_20] : memref<100008xi32, #tpu.memory_space<hbm>> -> memref<3136xi32, #tpu.memory_space<hbm>>
      tpu.wait_dma2 semaphore(%run_scoped3A : memref<!tpu.dma_semaphore, #tpu.memory_space<semaphore_mem>>) src(%dma_wait3A_44 : memref<3136xi32, #tpu.memory_space<hbm>>) dst(%arg6 : memref<3136xi32, #tpu.memory_space<vmem>>)
      tpu.yield
    }) : () -> ()
    %broadcast_in_dim3A = arith.constant -1 : i32
    %broadcast_in_dim3A_22 = vector.broadcast %broadcast_in_dim3A : i32 to vector<16xi32>
    %scan3A = arith.constant 0 : i32
    %scan3A_23 = arith.constant 0 : i32
    %scan3A_24 = arith.constant 128 : i32
    %scan3A_25 = arith.addi %scan3A_23, %scan3A_24 : i32
    %scan3A_26 = arith.constant 1 : i32
    scf.for %scan3A_43 = %scan3A_23 to %scan3A_25 step %scan3A_26  : i32 {
      %mul3A_44 = arith.constant 128 : i32
      %mul3A_45 = arith.muli %scan3A_43, %mul3A_44 : i32
      %add3A_46 = arith.constant 0 : i32
      %add3A_47 = arith.addi %mul3A_45, %add3A_46 : i32
      %swap3A = arith.index_cast %add3A_47 : i32 to index
      %swap3A_48 = tpu.vector_load %arg7[%swap3A] {strides = array<i32>} : memref<16384xi32, #tpu.memory_space<vmem>>, vector<16xi32>,
      tpu.vector_store %arg7[%swap3A], %broadcast_in_dim3A_22 {strides = array<i32>} : memref<16384xi32, #tpu.memory_space<vmem>>, vector<16xi32>,
      %mul3A_49 = arith.constant 128 : i32
      %mul3A_50 = arith.muli %scan3A_43, %mul3A_49 : i32
      %add3A_51 = arith.constant 16 : i32
      %add3A_52 = arith.addi %mul3A_50, %add3A_51 : i32
      %swap3A_53 = arith.index_cast %add3A_52 : i32 to index
      %swap3A_54 = tpu.vector_load %arg7[%swap3A_53] {strides = array<i32>} : memref<16384xi32, #tpu.memory_space<vmem>>, vector<16xi32>,
      tpu.vector_store %arg7[%swap3A_53], %broadcast_in_dim3A_22 {strides = array<i32>} : memref<16384xi32, #tpu.memory_space<vmem>>, vector<16xi32>,
      %mul3A_55 = arith.constant 128 : i32
      %mul3A_56 = arith.muli %scan3A_43, %mul3A_55 : i32
      %add3A_57 = arith.constant 32 : i32
      %add3A_58 = arith.addi %mul3A_56, %add3A_57 : i32
      %swap3A_59 = arith.index_cast %add3A_58 : i32 to index
      %swap3A_60 = tpu.vector_load %arg7[%swap3A_59] {strides = array<i32>} : memref<16384xi32, #tpu.memory_space<vmem>>, vector<16xi32>,
      tpu.vector_store %arg7[%swap3A_59], %broadcast_in_dim3A_22 {strides = array<i32>} : memref<16384xi32, #tpu.memory_space<vmem>>, vector<16xi32>,
      %mul3A_61 = arith.constant 128 : i32
      %mul3A_62 = arith.muli %scan3A_43, %mul3A_61 : i32
      %add3A_63 = arith.constant 48 : i32
      %add3A_64 = arith.addi %mul3A_62, %add3A_63 : i32
      %swap3A_65 = arith.index_cast %add3A_64 : i32 to index
      %swap3A_66 = tpu.vector_load %arg7[%swap3A_65] {strides = array<i32>} : memref<16384xi32, #tpu.memory_space<vmem>>, vector<16xi32>,
      tpu.vector_store %arg7[%swap3A_65], %broadcast_in_dim3A_22 {strides = array<i32>} : memref<16384xi32, #tpu.memory_space<vmem>>, vector<16xi32>,
      %mul3A_67 = arith.constant 128 : i32
      %mul3A_68 = arith.muli %scan3A_43, %mul3A_67 : i32
      %add3A_69 = arith.constant 64 : i32
      %add3A_70 = arith.addi %mul3A_68, %add3A_69 : i32
      %swap3A_71 = arith.index_cast %add3A_70 : i32 to index
      %swap3A_72 = tpu.vector_load %arg7[%swap3A_71] {strides = array<i32>} : memref<16384xi32, #tpu.memory_space<vmem>>, vector<16xi32>,
      tpu.vector_store %arg7[%swap3A_71], %broadcast_in_dim3A_22 {strides = array<i32>} : memref<16384xi32, #tpu.memory_space<vmem>>, vector<16xi32>,
      %mul3A_73 = arith.constant 128 : i32
      %mul3A_74 = arith.muli %scan3A_43, %mul3A_73 : i32
      %add3A_75 = arith.constant 80 : i32
      %add3A_76 = arith.addi %mul3A_74, %add3A_75 : i32
      %swap3A_77 = arith.index_cast %add3A_76 : i32 to index
      %swap3A_78 = tpu.vector_load %arg7[%swap3A_77] {strides = array<i32>} : memref<16384xi32, #tpu.memory_space<vmem>>, vector<16xi32>,
      tpu.vector_store %arg7[%swap3A_77], %broadcast_in_dim3A_22 {strides = array<i32>} : memref<16384xi32, #tpu.memory_space<vmem>>, vector<16xi32>,
      %mul3A_79 = arith.constant 128 : i32
      %mul3A_80 = arith.muli %scan3A_43, %mul3A_79 : i32
      %add3A_81 = arith.constant 96 : i32
      %add3A_82 = arith.addi %mul3A_80, %add3A_81 : i32
      %swap3A_83 = arith.index_cast %add3A_82 : i32 to index
      %swap3A_84 = tpu.vector_load %arg7[%swap3A_83] {strides = array<i32>} : memref<16384xi32, #tpu.memory_space<vmem>>, vector<16xi32>,
      tpu.vector_store %arg7[%swap3A_83], %broadcast_in_dim3A_22 {strides = array<i32>} : memref<16384xi32, #tpu.memory_space<vmem>>, vector<16xi32>,
      %mul3A_85 = arith.constant 128 : i32
      %mul3A_86 = arith.muli %scan3A_43, %mul3A_85 : i32
      %add3A_87 = arith.constant 112 : i32
      %add3A_88 = arith.addi %mul3A_86, %add3A_87 : i32
      %swap3A_89 = arith.index_cast %add3A_88 : i32 to index
      %swap3A_90 = tpu.vector_load %arg7[%swap3A_89] {strides = array<i32>} : memref<16384xi32, #tpu.memory_space<vmem>>, vector<16xi32>,
      tpu.vector_store %arg7[%swap3A_89], %broadcast_in_dim3A_22 {strides = array<i32>} : memref<16384xi32, #tpu.memory_space<vmem>>, vector<16xi32>,
    }
    %scan3A_27 = arith.constant 128 : i32
    %iota3A = tpu.iota {dimensions = array<i32: 0>} : vector<16xi32>
    %mul3A_28 = arith.constant 1024 : i32
    %mul3A_29 = vector.broadcast %mul3A_28 : i32 to vector<16xi32>
    %mul3A_30 = arith.muli %iota3A, %mul3A_29 : vector<16xi32>
    %scan3A_31 = arith.constant 0 : i32
    %scan3A_32 = arith.constant 0 : i32
    %scan3A_33 = arith.constant 196 : i32
    %scan3A_34 = arith.addi %scan3A_32, %scan3A_33 : i32
    %scan3A_35 = arith.constant 1 : i32
    scf.for %scan3A_43 = %scan3A_32 to %scan3A_34 step %scan3A_35  : i32 {
      %mul3A_44 = arith.constant 16 : i32
      %mul3A_45 = arith.muli %scan3A_43, %mul3A_44 : i32
      %get3A = arith.index_cast %mul3A_45 : i32 to index
      %get3A_46 = tpu.vector_load %arg5[%get3A] {strides = array<i32>} : memref<3136xi32, #tpu.memory_space<vmem>>, vector<16xi32>,
      %get3A_47 = arith.index_cast %mul3A_45 : i32 to index
      %get3A_48 = tpu.vector_load %arg6[%get3A_47] {strides = array<i32>} : memref<3136xi32, #tpu.memory_space<vmem>>, vector<16xi32>,
      %add3A_49 = vector.broadcast %mul3A_45 : i32 to vector<16xi32>
      %add3A_50 = arith.addi %add3A_49, %iota3A : vector<16xi32>
      %ge3A = vector.broadcast %sub3A_21 : i32 to vector<16xi32>
      %ge3A_51 = arith.cmpi sge, %add3A_50, %ge3A : vector<16xi32>
      %add3A_52 = arith.constant 3125 : i32
      %add3A_53 = arith.addi %sub3A_21, %add3A_52 : i32
      %lt3A = vector.broadcast %add3A_53 : i32 to vector<16xi32>
      %lt3A_54 = arith.cmpi slt, %add3A_50, %lt3A : vector<16xi32>
      %and3A_55 = arith.andi %ge3A_51, %lt3A_54 : vector<16xi1>
      %jit3A_56 = arith.constant 0 : i32
      %broadcast_in_dim3A_57 = vector.broadcast %jit3A_56 : i32 to vector<16xi32>
      %select_n3A_58 = arith.select %and3A_55, %get3A_46, %broadcast_in_dim3A_57 : vector<16xi1>, vector<16xi32>
      %jit3A_59 = arith.constant 0 : i32
      %jit3A_60 = arith.constant 1023 : i32
      %max3A = vector.broadcast %jit3A_59 : i32 to vector<16xi32>
      %max3A_61 = arith.maxsi %max3A, %select_n3A_58 : vector<16xi32>
      %min3A = vector.broadcast %jit3A_60 : i32 to vector<16xi32>
      %min3A_62 = arith.minsi %min3A, %max3A_61 : vector<16xi32>
      %add3A_63 = arith.addi %mul3A_30, %min3A_62 : vector<16xi32>
      %gather3A = tpu.vector_load_idx %arg7[%add3A_63] masked %and3A_55 : memref<16384xi32, #tpu.memory_space<vmem>>[vector<16xi32>], vector<16xi32>, vector<16xi1>
      %jit3A_64 = arith.constant -1 : i32
      %broadcast_in_dim3A_65 = vector.broadcast %jit3A_64 : i32 to vector<16xi32>
      %select_n3A_66 = arith.select %and3A_55, %get3A_48, %broadcast_in_dim3A_65 : vector<16xi1>, vector<16xi32>
      %max3A_67 = arith.maxsi %gather3A, %select_n3A_66 : vector<16xi32>
      tpu.vector_store_idx %arg7[%add3A_63], %max3A_67 masked %and3A_55 : memref<16384xi32, #tpu.memory_space<vmem>>[vector<16xi32>], vector<16xi32>, vector<16xi1>
    }
    %scan3A_36 = arith.constant 196 : i32
    %scan3A_37 = arith.constant 0 : i32
    %scan3A_38 = arith.constant 0 : i32
    %scan3A_39 = arith.constant 64 : i32
    %scan3A_40 = arith.addi %scan3A_38, %scan3A_39 : i32
    %scan3A_41 = arith.constant 1 : i32
    scf.for %scan3A_43 = %scan3A_38 to %scan3A_40 step %scan3A_41  : i32 {
      %mul3A_44 = arith.constant 16 : i32
      %mul3A_45 = arith.muli %scan3A_43, %mul3A_44 : i32
      %get3A = arith.index_cast %mul3A_45 : i32 to index
      %get3A_46 = tpu.vector_load %arg7[%get3A] {strides = array<i32>} : memref<16384xi32, #tpu.memory_space<vmem>>, vector<16xi32>,
      %mul3A_47 = arith.constant 16 : i32
      %mul3A_48 = arith.muli %scan3A_43, %mul3A_47 : i32
      %add3A_49 = arith.constant 1024 : i32
      %add3A_50 = arith.addi %add3A_49, %mul3A_48 : i32
      %get3A_51 = arith.index_cast %add3A_50 : i32 to index
      %get3A_52 = tpu.vector_load %arg7[%get3A_51] {strides = array<i32>} : memref<16384xi32, #tpu.memory_space<vmem>>, vector<16xi32>,
      %max3A = arith.maxsi %get3A_46, %get3A_52 : vector<16xi32>
      %mul3A_53 = arith.constant 16 : i32
      %mul3A_54 = arith.muli %scan3A_43, %mul3A_53 : i32
      %add3A_55 = arith.constant 2048 : i32
      %add3A_56 = arith.addi %add3A_55, %mul3A_54 : i32
      %get3A_57 = arith.index_cast %add3A_56 : i32 to index
      %get3A_58 = tpu.vector_load %arg7[%get3A_57] {strides = array<i32>} : memref<16384xi32, #tpu.memory_space<vmem>>, vector<16xi32>,
      %max3A_59 = arith.maxsi %max3A, %get3A_58 : vector<16xi32>
      %mul3A_60 = arith.constant 16 : i32
      %mul3A_61 = arith.muli %scan3A_43, %mul3A_60 : i32
      %add3A_62 = arith.constant 3072 : i32
      %add3A_63 = arith.addi %add3A_62, %mul3A_61 : i32
      %get3A_64 = arith.index_cast %add3A_63 : i32 to index
      %get3A_65 = tpu.vector_load %arg7[%get3A_64] {strides = array<i32>} : memref<16384xi32, #tpu.memory_space<vmem>>, vector<16xi32>,
      %max3A_66 = arith.maxsi %max3A_59, %get3A_65 : vector<16xi32>
      %mul3A_67 = arith.constant 16 : i32
      %mul3A_68 = arith.muli %scan3A_43, %mul3A_67 : i32
      %add3A_69 = arith.constant 4096 : i32
      %add3A_70 = arith.addi %add3A_69, %mul3A_68 : i32
      %get3A_71 = arith.index_cast %add3A_70 : i32 to index
      %get3A_72 = tpu.vector_load %arg7[%get3A_71] {strides = array<i32>} : memref<16384xi32, #tpu.memory_space<vmem>>, vector<16xi32>,
      %max3A_73 = arith.maxsi %max3A_66, %get3A_72 : vector<16xi32>
      %mul3A_74 = arith.constant 16 : i32
      %mul3A_75 = arith.muli %scan3A_43, %mul3A_74 : i32
      %add3A_76 = arith.constant 5120 : i32
      %add3A_77 = arith.addi %add3A_76, %mul3A_75 : i32
      %get3A_78 = arith.index_cast %add3A_77 : i32 to index
      %get3A_79 = tpu.vector_load %arg7[%get3A_78] {strides = array<i32>} : memref<16384xi32, #tpu.memory_space<vmem>>, vector<16xi32>,
      %max3A_80 = arith.maxsi %max3A_73, %get3A_79 : vector<16xi32>
      %mul3A_81 = arith.constant 16 : i32
      %mul3A_82 = arith.muli %scan3A_43, %mul3A_81 : i32
      %add3A_83 = arith.constant 6144 : i32
      %add3A_84 = arith.addi %add3A_83, %mul3A_82 : i32
      %get3A_85 = arith.index_cast %add3A_84 : i32 to index
      %get3A_86 = tpu.vector_load %arg7[%get3A_85] {strides = array<i32>} : memref<16384xi32, #tpu.memory_space<vmem>>, vector<16xi32>,
      %max3A_87 = arith.maxsi %max3A_80, %get3A_86 : vector<16xi32>
      %mul3A_88 = arith.constant 16 : i32
      %mul3A_89 = arith.muli %scan3A_43, %mul3A_88 : i32
      %add3A_90 = arith.constant 7168 : i32
      %add3A_91 = arith.addi %add3A_90, %mul3A_89 : i32
      %get3A_92 = arith.index_cast %add3A_91 : i32 to index
      %get3A_93 = tpu.vector_load %arg7[%get3A_92] {strides = array<i32>} : memref<16384xi32, #tpu.memory_space<vmem>>, vector<16xi32>,
      %max3A_94 = arith.maxsi %max3A_87, %get3A_93 : vector<16xi32>
      %mul3A_95 = arith.constant 16 : i32
      %mul3A_96 = arith.muli %scan3A_43, %mul3A_95 : i32
      %add3A_97 = arith.constant 8192 : i32
      %add3A_98 = arith.addi %add3A_97, %mul3A_96 : i32
      %get3A_99 = arith.index_cast %add3A_98 : i32 to index
      %get3A_100 = tpu.vector_load %arg7[%get3A_99] {strides = array<i32>} : memref<16384xi32, #tpu.memory_space<vmem>>, vector<16xi32>,
      %max3A_101 = arith.maxsi %max3A_94, %get3A_100 : vector<16xi32>
      %mul3A_102 = arith.constant 16 : i32
      %mul3A_103 = arith.muli %scan3A_43, %mul3A_102 : i32
      %add3A_104 = arith.constant 9216 : i32
      %add3A_105 = arith.addi %add3A_104, %mul3A_103 : i32
      %get3A_106 = arith.index_cast %add3A_105 : i32 to index
      %get3A_107 = tpu.vector_load %arg7[%get3A_106] {strides = array<i32>} : memref<16384xi32, #tpu.memory_space<vmem>>, vector<16xi32>,
      %max3A_108 = arith.maxsi %max3A_101, %get3A_107 : vector<16xi32>
      %mul3A_109 = arith.constant 16 : i32
      %mul3A_110 = arith.muli %scan3A_43, %mul3A_109 : i32
      %add3A_111 = arith.constant 10240 : i32
      %add3A_112 = arith.addi %add3A_111, %mul3A_110 : i32
      %get3A_113 = arith.index_cast %add3A_112 : i32 to index
      %get3A_114 = tpu.vector_load %arg7[%get3A_113] {strides = array<i32>} : memref<16384xi32, #tpu.memory_space<vmem>>, vector<16xi32>,
      %max3A_115 = arith.maxsi %max3A_108, %get3A_114 : vector<16xi32>
      %mul3A_116 = arith.constant 16 : i32
      %mul3A_117 = arith.muli %scan3A_43, %mul3A_116 : i32
      %add3A_118 = arith.constant 11264 : i32
      %add3A_119 = arith.addi %add3A_118, %mul3A_117 : i32
      %get3A_120 = arith.index_cast %add3A_119 : i32 to index
      %get3A_121 = tpu.vector_load %arg7[%get3A_120] {strides = array<i32>} : memref<16384xi32, #tpu.memory_space<vmem>>, vector<16xi32>,
      %max3A_122 = arith.maxsi %max3A_115, %get3A_121 : vector<16xi32>
      %mul3A_123 = arith.constant 16 : i32
      %mul3A_124 = arith.muli %scan3A_43, %mul3A_123 : i32
      %add3A_125 = arith.constant 12288 : i32
      %add3A_126 = arith.addi %add3A_125, %mul3A_124 : i32
      %get3A_127 = arith.index_cast %add3A_126 : i32 to index
      %get3A_128 = tpu.vector_load %arg7[%get3A_127] {strides = array<i32>} : memref<16384xi32, #tpu.memory_space<vmem>>, vector<16xi32>,
      %max3A_129 = arith.maxsi %max3A_122, %get3A_128 : vector<16xi32>
      %mul3A_130 = arith.constant 16 : i32
      %mul3A_131 = arith.muli %scan3A_43, %mul3A_130 : i32
      %add3A_132 = arith.constant 13312 : i32
      %add3A_133 = arith.addi %add3A_132, %mul3A_131 : i32
      %get3A_134 = arith.index_cast %add3A_133 : i32 to index
      %get3A_135 = tpu.vector_load %arg7[%get3A_134] {strides = array<i32>} : memref<16384xi32, #tpu.memory_space<vmem>>, vector<16xi32>,
      %max3A_136 = arith.maxsi %max3A_129, %get3A_135 : vector<16xi32>
      %mul3A_137 = arith.constant 16 : i32
      %mul3A_138 = arith.muli %scan3A_43, %mul3A_137 : i32
      %add3A_139 = arith.constant 14336 : i32
      %add3A_140 = arith.addi %add3A_139, %mul3A_138 : i32
      %get3A_141 = arith.index_cast %add3A_140 : i32 to index
      %get3A_142 = tpu.vector_load %arg7[%get3A_141] {strides = array<i32>} : memref<16384xi32, #tpu.memory_space<vmem>>, vector<16xi32>,
      %max3A_143 = arith.maxsi %max3A_136, %get3A_142 : vector<16xi32>
      %mul3A_144 = arith.constant 16 : i32
      %mul3A_145 = arith.muli %scan3A_43, %mul3A_144 : i32
      %add3A_146 = arith.constant 15360 : i32
      %add3A_147 = arith.addi %add3A_146, %mul3A_145 : i32
      %get3A_148 = arith.index_cast %add3A_147 : i32 to index
      %get3A_149 = tpu.vector_load %arg7[%get3A_148] {strides = array<i32>} : memref<16384xi32, #tpu.memory_space<vmem>>, vector<16xi32>,
      %max3A_150 = arith.maxsi %max3A_143, %get3A_149 : vector<16xi32>
      %mul3A_151 = arith.constant 16 : i32
      %mul3A_152 = arith.muli %scan3A_43, %mul3A_151 : i32
      %swap3A = arith.index_cast %mul3A_152 : i32 to index
      %swap3A_153 = tpu.vector_load %arg7[%swap3A] {strides = array<i32>} : memref<16384xi32, #tpu.memory_space<vmem>>, vector<16xi32>,
      tpu.vector_store %arg7[%swap3A], %max3A_150 {strides = array<i32>} : memref<16384xi32, #tpu.memory_space<vmem>>, vector<16xi32>,
    }
    %scan3A_42 = arith.constant 64 : i32
    "tpu.region"() ({
      %run_scoped3A = tpu.sem_alloc : memref<!tpu.dma_semaphore, #tpu.memory_space<semaphore_mem>>
      %dma_start3A = arith.constant 0 : i32
      %dma_start3A_43 = tpu.memref_slice %arg7[%dma_start3A] : memref<16384xi32, #tpu.memory_space<vmem>> -> memref<1024xi32, #tpu.memory_space<vmem>>
      %dma_start3A_44 = arith.constant 0 : i32
      %dma_start3A_45 = tpu.memref_slice %arg4[%add3A, %dma_start3A_44] : memref<32x1024xi32, #tpu.memory_space<hbm>> -> memref<1x1024xi32, #tpu.memory_space<hbm>>
      %dma_start3A_46 = tpu.memref_squeeze %dma_start3A_45 : memref<1x1024xi32, #tpu.memory_space<hbm>> -> memref<1024xi32, #tpu.memory_space<hbm>>
      %dma_start3A_47 = arith.constant 0 : i32
      %dma_start3A_48 = tpu.memref_slice %arg4[%add3A, %dma_start3A_47] : memref<32x1024xi32, #tpu.memory_space<hbm>> -> memref<1x1024xi32, #tpu.memory_space<hbm>>
      %dma_start3A_49 = tpu.memref_squeeze %dma_start3A_48 : memref<1x1024xi32, #tpu.memory_space<hbm>> -> memref<1024xi32, #tpu.memory_space<hbm>>
      %dma_start3A_50 = arith.constant 0 : i32
      %dma_start3A_51 = tpu.memref_slice %arg7[%dma_start3A_50] : memref<16384xi32, #tpu.memory_space<vmem>> -> memref<1024xi32, #tpu.memory_space<vmem>>
      tpu.enqueue_dma source(%dma_start3A_51 : memref<1024xi32, #tpu.memory_space<vmem>>) target(%dma_start3A_49 : memref<1024xi32, #tpu.memory_space<hbm>>) target_semaphore(%run_scoped3A : memref<!tpu.dma_semaphore, #tpu.memory_space<semaphore_mem>>)
      %dma_wait3A = arith.constant 0 : i32
      %dma_wait3A_52 = tpu.memref_slice %arg7[%dma_wait3A] : memref<16384xi32, #tpu.memory_space<vmem>> -> memref<1024xi32, #tpu.memory_space<vmem>>
      %dma_wait3A_53 = arith.constant 0 : i32
      %dma_wait3A_54 = tpu.memref_slice %arg4[%add3A, %dma_wait3A_53] : memref<32x1024xi32, #tpu.memory_space<hbm>> -> memref<1x1024xi32, #tpu.memory_space<hbm>>
      %dma_wait3A_55 = tpu.memref_squeeze %dma_wait3A_54 : memref<1x1024xi32, #tpu.memory_space<hbm>> -> memref<1024xi32, #tpu.memory_space<hbm>>
      %dma_wait3A_56 = arith.constant 0 : i32
      %dma_wait3A_57 = tpu.memref_slice %arg4[%add3A, %dma_wait3A_56] : memref<32x1024xi32, #tpu.memory_space<hbm>> -> memref<1x1024xi32, #tpu.memory_space<hbm>>
      %dma_wait3A_58 = tpu.memref_squeeze %dma_wait3A_57 : memref<1x1024xi32, #tpu.memory_space<hbm>> -> memref<1024xi32, #tpu.memory_space<hbm>>
      %dma_wait3A_59 = arith.constant 0 : i32
      %dma_wait3A_60 = tpu.memref_slice %arg7[%dma_wait3A_59] : memref<16384xi32, #tpu.memory_space<vmem>> -> memref<1024xi32, #tpu.memory_space<vmem>>
      tpu.wait_dma2 semaphore(%run_scoped3A : memref<!tpu.dma_semaphore, #tpu.memory_space<semaphore_mem>>) src(%dma_wait3A_60 : memref<1024xi32, #tpu.memory_space<vmem>>) dst(%dma_wait3A_58 : memref<1024xi32, #tpu.memory_space<hbm>>)
      tpu.yield
    }) : () -> ()
    return
  }
}

module attributes {stable_mosaic.version = 14 : i64} {
  func.func @_accum_body(%arg0: i32, %arg1: memref<25xi32, #tpu.memory_space<smem>>, %arg2: memref<25xi32, #tpu.memory_space<smem>>, %arg3: memref<4000x256xf32, #tpu.memory_space<vmem>>, %arg4: memref<1x1x4000xi32, #tpu.memory_space<vmem>>, %arg5: memref<4000x1xf32, #tpu.memory_space<vmem>>, %arg6: memref<256x256xbf16, #tpu.memory_space<vmem>>, %arg7: memref<1x256xf32, #tpu.memory_space<vmem>>, %arg8: memref<256x128xbf16, #tpu.memory_space<vmem>>, %arg9: memref<1x128xf32, #tpu.memory_space<vmem>>, %arg10: memref<1024x1285xf32, #tpu.memory_space<vmem>>) attributes {dimension_semantics = [#tpu.dimension_semantics<arbitrary>], iteration_bounds = array<i64: 25>, scalar_prefetch = 2 : i64, scratch_operands = 0 : i64, tpu.core_type = #tpu.core_type<tc>, window_params = [{transform_indices = @transform_0, window_bounds = array<i64: 4000, 256>}, {transform_indices = @transform_1, window_bounds = array<i64: 1, 1, 4000>}, {transform_indices = @transform_2, window_bounds = array<i64: 4000, 1>}, {pipeline_mode = #tpu.pipeline_mode<synchronous>, transform_indices = @transform_3, window_bounds = array<i64: 256, 256>}, {pipeline_mode = #tpu.pipeline_mode<synchronous>, transform_indices = @transform_4, window_bounds = array<i64: 1, 256>}, {pipeline_mode = #tpu.pipeline_mode<synchronous>, transform_indices = @transform_5, window_bounds = array<i64: 256, 128>}, {pipeline_mode = #tpu.pipeline_mode<synchronous>, transform_indices = @transform_6, window_bounds = array<i64: 1, 128>}, {pipeline_mode = #tpu.pipeline_mode<synchronous>, transform_indices = @transform_7, window_bounds = array<i64: 1024, 1285>}]} {
    %get3A = arith.constant 0 : index
    %get3A_0 = arith.constant 0 : index
    %get3A_1 = vector.load %arg3[%get3A, %get3A_0] : memref<4000x256xf32, #tpu.memory_space<vmem>>, vector<4000x256xf32>
    %convert_element_type3A = arith.truncf %get3A_1 : vector<4000x256xf32> to vector<4000x256xbf16>
    %get3A_2 = arith.constant 0 : index
    %get3A_3 = arith.constant 0 : index
    %get3A_4 = vector.load %arg6[%get3A_2, %get3A_3] : memref<256x256xbf16, #tpu.memory_space<vmem>>, vector<256x256xbf16>
    %dot_general3A = arith.constant dense<0.000000e+00> : vector<4000x256xf32>
    %dot_general3A_5 = tpu.matmul %convert_element_type3A, %get3A_4, %dot_general3A {dimension_numbers = #tpu.dot_dimension_numbers<[1], [0], [0], [1], [0, 0, 1, 1], [], []>, transpose_lhs_hint = false} : vector<4000x256xbf16>, vector<256x256xbf16>, vector<4000x256xf32> -> vector<4000x256xf32>
    %get3A_6 = arith.constant 0 : index
    %get3A_7 = arith.constant 0 : index
    %get3A_8 = vector.load %arg7[%get3A_6, %get3A_7] : memref<1x256xf32, #tpu.memory_space<vmem>>, vector<1x256xf32>
    %add3A = vector.broadcast %get3A_8 : vector<1x256xf32> to vector<4000x256xf32>
    %add3A_9 = arith.addf %dot_general3A_5, %add3A : vector<4000x256xf32>
    %tanh3A = math.tanh %add3A_9 : vector<4000x256xf32>
    %convert_element_type3A_10 = arith.truncf %tanh3A : vector<4000x256xf32> to vector<4000x256xbf16>
    %get3A_11 = arith.constant 0 : index
    %get3A_12 = arith.constant 0 : index
    %get3A_13 = vector.load %arg8[%get3A_11, %get3A_12] : memref<256x128xbf16, #tpu.memory_space<vmem>>, vector<256x128xbf16>
    %dot_general3A_14 = arith.constant dense<0.000000e+00> : vector<4000x128xf32>
    %dot_general3A_15 = tpu.matmul %convert_element_type3A_10, %get3A_13, %dot_general3A_14 {dimension_numbers = #tpu.dot_dimension_numbers<[1], [0], [0], [1], [0, 0, 1, 1], [], []>, transpose_lhs_hint = false} : vector<4000x256xbf16>, vector<256x128xbf16>, vector<4000x128xf32> -> vector<4000x128xf32>
    %get3A_16 = arith.constant 0 : index
    %get3A_17 = arith.constant 0 : index
    %get3A_18 = vector.load %arg9[%get3A_16, %get3A_17] : memref<1x128xf32, #tpu.memory_space<vmem>>, vector<1x128xf32>
    %add3A_19 = vector.broadcast %get3A_18 : vector<1x128xf32> to vector<4000x128xf32>
    %add3A_20 = arith.addf %dot_general3A_15, %add3A_19 : vector<4000x128xf32>
    %get3A_21 = arith.constant 0 : index
    %get3A_22 = arith.constant 0 : index
    %get3A_23 = vector.load %arg5[%get3A_21, %get3A_22] : memref<4000x1xf32, #tpu.memory_space<vmem>>, vector<4000x1xf32>
    %get3A_24 = arith.constant 0 : index
    %get3A_25 = arith.constant 0 : index
    %get3A_26 = arith.constant 0 : index
    %get3A_27 = vector.load %arg4[%get3A_24, %get3A_25, %get3A_26] : memref<1x1x4000xi32, #tpu.memory_space<vmem>>, vector<1x1x4000xi32>
    %get3A_28 = vector.shape_cast %get3A_27 : vector<1x1x4000xi32> to vector<1x4000xi32>
    %slice3A = vector.extract_strided_slice %add3A_20 {offsets = [0, 0], sizes = [4000, 1], strides = [1, 1]} : vector<4000x128xf32> to vector<4000x1xf32>
    %exp3A = math.exp %slice3A : vector<4000x1xf32>
    %convert_element_type3A_29 = arith.truncf %exp3A : vector<4000x1xf32> to vector<4000x1xbf16>
    %slice3A_30 = vector.extract_strided_slice %add3A_20 {offsets = [0, 1], sizes = [4000, 1], strides = [1, 1]} : vector<4000x128xf32> to vector<4000x1xf32>
    %exp3A_31 = math.exp %slice3A_30 : vector<4000x1xf32>
    %convert_element_type3A_32 = arith.truncf %exp3A_31 : vector<4000x1xf32> to vector<4000x1xbf16>
    %slice3A_33 = vector.extract_strided_slice %add3A_20 {offsets = [0, 2], sizes = [4000, 1], strides = [1, 1]} : vector<4000x128xf32> to vector<4000x1xf32>
    %exp3A_34 = math.exp %slice3A_33 : vector<4000x1xf32>
    %convert_element_type3A_35 = arith.truncf %exp3A_34 : vector<4000x1xf32> to vector<4000x1xbf16>
    %slice3A_36 = vector.extract_strided_slice %add3A_20 {offsets = [0, 3], sizes = [4000, 1], strides = [1, 1]} : vector<4000x128xf32> to vector<4000x1xf32>
    %exp3A_37 = math.exp %slice3A_36 : vector<4000x1xf32>
    %convert_element_type3A_38 = arith.truncf %exp3A_37 : vector<4000x1xf32> to vector<4000x1xbf16>
    %convert_element_type3A_39 = arith.truncf %get3A_23 : vector<4000x1xf32> to vector<4000x1xbf16>
    %mul3A = vector.broadcast %convert_element_type3A_29 : vector<4000x1xbf16> to vector<4000x256xbf16>
    %mul3A_40 = arith.mulf %mul3A, %convert_element_type3A : vector<4000x256xbf16>
    %mul3A_41 = vector.broadcast %convert_element_type3A_32 : vector<4000x1xbf16> to vector<4000x256xbf16>
    %mul3A_42 = arith.mulf %mul3A_41, %convert_element_type3A : vector<4000x256xbf16>
    %mul3A_43 = vector.broadcast %convert_element_type3A_35 : vector<4000x1xbf16> to vector<4000x256xbf16>
    %mul3A_44 = arith.mulf %mul3A_43, %convert_element_type3A : vector<4000x256xbf16>
    %mul3A_45 = vector.broadcast %convert_element_type3A_38 : vector<4000x1xbf16> to vector<4000x256xbf16>
    %mul3A_46 = arith.mulf %mul3A_45, %convert_element_type3A : vector<4000x256xbf16>
    %mul3A_47 = vector.broadcast %convert_element_type3A_39 : vector<4000x1xbf16> to vector<4000x256xbf16>
    %mul3A_48 = arith.mulf %mul3A_47, %convert_element_type3A : vector<4000x256xbf16>
    %concatenate3A = tpu.concatenate %mul3A_40, %mul3A_42, %mul3A_44, %mul3A_46, %mul3A_48, %convert_element_type3A_29, %convert_element_type3A_32, %convert_element_type3A_35, %convert_element_type3A_38, %convert_element_type3A_39 in 1 : vector<4000x256xbf16>, vector<4000x256xbf16>, vector<4000x256xbf16>, vector<4000x256xbf16>, vector<4000x256xbf16>, vector<4000x1xbf16>, vector<4000x1xbf16>, vector<4000x1xbf16>, vector<4000x1xbf16>, vector<4000x1xbf16> -> vector<4000x1285xbf16>
    %get3A_49 = arith.index_cast %arg0 : i32 to index
    %get3A_50 = memref.load %arg1[%get3A_49] : memref<25xi32, #tpu.memory_space<smem>>
    %get3A_51 = arith.index_cast %arg0 : i32 to index
    %get3A_52 = memref.load %arg2[%get3A_51] : memref<25xi32, #tpu.memory_space<smem>>
    %jit3A = arith.constant 8 : i32
    %div3A = arith.divsi %get3A_50, %jit3A : i32
    %sign3A = arith.constant 0 : i32
    %sign3A_53 = arith.cmpi sgt, %get3A_50, %sign3A : i32
    %sign3A_54 = arith.extui %sign3A_53 : i1 to i32
    %sign3A_55 = arith.constant 0 : i32
    %sign3A_56 = arith.cmpi slt, %get3A_50, %sign3A_55 : i32
    %sign3A_57 = arith.extui %sign3A_56 : i1 to i32
    %sign3A_58 = arith.subi %sign3A_54, %sign3A_57 : i32
    %sign3A_59 = arith.constant 0 : i32
    %sign3A_60 = arith.cmpi sgt, %jit3A, %sign3A_59 : i32
    %sign3A_61 = arith.extui %sign3A_60 : i1 to i32
    %sign3A_62 = arith.constant 0 : i32
    %sign3A_63 = arith.cmpi slt, %jit3A, %sign3A_62 : i32
    %sign3A_64 = arith.extui %sign3A_63 : i1 to i32
    %sign3A_65 = arith.subi %sign3A_61, %sign3A_64 : i32
    %ne3A = arith.cmpi ne, %sign3A_58, %sign3A_65 : i32
    %rem3A = arith.remsi %get3A_50, %jit3A : i32
    %ne3A_66 = arith.constant 0 : i32
    %ne3A_67 = arith.cmpi ne, %rem3A, %ne3A_66 : i32
    %and3A = arith.andi %ne3A, %ne3A_67 : i1
    %sub3A = arith.constant 1 : i32
    %sub3A_68 = arith.subi %div3A, %sub3A : i32
    %select_n3A = arith.select %and3A, %sub3A_68, %div3A : i32
    %mul3A_69 = arith.constant 8 : i32
    %mul3A_70 = arith.muli %select_n3A, %mul3A_69 : i32
    %min3A = arith.constant 960 : i32
    %min3A_71 = arith.minsi %mul3A_70, %min3A : i32
    %add3A_72 = arith.constant 64 : i32
    %add3A_73 = arith.addi %min3A_71, %add3A_72 : i32
    %lt3A = arith.cmpi slt, %get3A_52, %add3A_73 : i32
    %eq3A = arith.constant 0 : i32
    %eq3A_74 = arith.cmpi eq, %arg0, %eq3A : i32
    %convert_element_type3A_75 = arith.extui %eq3A_74 : i1 to i32
    %cond3A = arith.constant 0 : i32
    %cond3A_76 = arith.cmpi ne, %convert_element_type3A_75, %cond3A : i32
    scf.if %cond3A_76 {
      %broadcast_in_dim3A = arith.constant 0.000000e+00 : f32
      %broadcast_in_dim3A_84 = vector.broadcast %broadcast_in_dim3A : f32 to vector<1024x1285xf32>
      %swap3A = arith.constant 0 : index
      %swap3A_85 = arith.constant 0 : index
      %swap3A_86 = vector.load %arg10[%swap3A, %swap3A_85] : memref<1024x1285xf32, #tpu.memory_space<vmem>>, vector<1024x1285xf32>
      tpu.vector_store %arg10[%swap3A, %swap3A_85], %broadcast_in_dim3A_84 {strides = array<i32>} : memref<1024x1285xf32, #tpu.memory_space<vmem>>, vector<1024x1285xf32>,
    } else {
    }
    %convert_element_type3A_77 = arith.extui %lt3A : i1 to i32
    %cond3A_78 = arith.constant 0 : i32
    %cond3A_79 = arith.cmpi ne, %convert_element_type3A_77, %cond3A_78 : i32
    scf.if %cond3A_79 {
      %iota3A = tpu.iota {dimensions = array<i32: 0>} : vector<64x1xi32>
      %add3A_84 = vector.broadcast %min3A_71 : i32 to vector<64x1xi32>
      %add3A_85 = arith.addi %iota3A, %add3A_84 : vector<64x1xi32>
      %eq3A_86 = vector.broadcast %add3A_85 : vector<64x1xi32> to vector<64x4000xi32>
      %eq3A_87 = vector.broadcast %get3A_28 : vector<1x4000xi32> to vector<64x4000xi32>
      %eq3A_88 = arith.cmpi eq, %eq3A_86, %eq3A_87 : vector<64x4000xi32>
      %convert_element_type3A_89 = arith.extui %eq3A_88 : vector<64x4000xi1> to vector<64x4000xi32>
      %convert_element_type3A_90 = arith.sitofp %convert_element_type3A_89 : vector<64x4000xi32> to vector<64x4000xf32>
      %convert_element_type3A_91 = arith.truncf %convert_element_type3A_90 : vector<64x4000xf32> to vector<64x4000xbf16>
      %dot_general3A_92 = arith.constant dense<0.000000e+00> : vector<64x1285xf32>
      %dot_general3A_93 = tpu.matmul %convert_element_type3A_91, %concatenate3A, %dot_general3A_92 {dimension_numbers = #tpu.dot_dimension_numbers<[1], [0], [0], [1], [0, 0, 1, 1], [], []>, transpose_lhs_hint = false} : vector<64x4000xbf16>, vector<4000x1285xbf16>, vector<64x1285xf32> -> vector<64x1285xf32>
      %get3A_94 = arith.index_cast %min3A_71 : i32 to index
      %get3A_95 = arith.constant 0 : index
      %get3A_96 = vector.load %arg10[%get3A_94, %get3A_95] : memref<1024x1285xf32, #tpu.memory_space<vmem>>, vector<64x1285xf32>
      %add3A_97 = arith.addf %get3A_96, %dot_general3A_93 : vector<64x1285xf32>
      %swap3A = arith.index_cast %min3A_71 : i32 to index
      %swap3A_98 = arith.constant 0 : index
      %swap3A_99 = vector.load %arg10[%swap3A, %swap3A_98] : memref<1024x1285xf32, #tpu.memory_space<vmem>>, vector<64x1285xf32>
      tpu.vector_store %arg10[%swap3A, %swap3A_98], %add3A_97 {strides = array<i32>} : memref<1024x1285xf32, #tpu.memory_space<vmem>>, vector<64x1285xf32>,
    } else {
    }
    %not3A = arith.constant true
    %not3A_80 = arith.xori %lt3A, %not3A : i1
    %convert_element_type3A_81 = arith.extui %not3A_80 : i1 to i32
    %cond3A_82 = arith.constant 0 : i32
    %cond3A_83 = arith.cmpi ne, %convert_element_type3A_81, %cond3A_82 : i32
    scf.if %cond3A_83 {
      %iota3A = tpu.iota {dimensions = array<i32: 0>} : vector<1024x1xi32>
      %eq3A_84 = vector.broadcast %iota3A : vector<1024x1xi32> to vector<1024x4000xi32>
      %eq3A_85 = vector.broadcast %get3A_28 : vector<1x4000xi32> to vector<1024x4000xi32>
      %eq3A_86 = arith.cmpi eq, %eq3A_84, %eq3A_85 : vector<1024x4000xi32>
      %convert_element_type3A_87 = arith.extui %eq3A_86 : vector<1024x4000xi1> to vector<1024x4000xi32>
      %convert_element_type3A_88 = arith.sitofp %convert_element_type3A_87 : vector<1024x4000xi32> to vector<1024x4000xf32>
      %convert_element_type3A_89 = arith.truncf %convert_element_type3A_88 : vector<1024x4000xf32> to vector<1024x4000xbf16>
      %dot_general3A_90 = arith.constant dense<0.000000e+00> : vector<1024x1285xf32>
      %dot_general3A_91 = tpu.matmul %convert_element_type3A_89, %concatenate3A, %dot_general3A_90 {dimension_numbers = #tpu.dot_dimension_numbers<[1], [0], [0], [1], [0, 0, 1, 1], [], []>, transpose_lhs_hint = false} : vector<1024x4000xbf16>, vector<4000x1285xbf16>, vector<1024x1285xf32> -> vector<1024x1285xf32>
      %get3A_92 = arith.constant 0 : index
      %get3A_93 = arith.constant 0 : index
      %get3A_94 = vector.load %arg10[%get3A_92, %get3A_93] : memref<1024x1285xf32, #tpu.memory_space<vmem>>, vector<1024x1285xf32>
      %add3A_95 = arith.addf %get3A_94, %dot_general3A_91 : vector<1024x1285xf32>
      %swap3A = arith.constant 0 : index
      %swap3A_96 = arith.constant 0 : index
      %swap3A_97 = vector.load %arg10[%swap3A, %swap3A_96] : memref<1024x1285xf32, #tpu.memory_space<vmem>>, vector<1024x1285xf32>
      tpu.vector_store %arg10[%swap3A, %swap3A_96], %add3A_95 {strides = array<i32>} : memref<1024x1285xf32, #tpu.memory_space<vmem>>, vector<1024x1285xf32>,
    } else {
    }
    return
  }
  func.func @transform_0(%arg0: i32, %arg1: memref<25xi32, #tpu.memory_space<smem>>, %arg2: memref<25xi32, #tpu.memory_space<smem>>) -> (i32, i32) {
    %c0_i32 = arith.constant 0 : i32
    %c0_i32_0 = arith.constant 0 : i32
    return %arg0, %c0_i32 : i32, i32
  }
  func.func @transform_1(%arg0: i32, %arg1: memref<25xi32, #tpu.memory_space<smem>>, %arg2: memref<25xi32, #tpu.memory_space<smem>>) -> (i32, i32, i32) {
    %c0_i32 = arith.constant 0 : i32
    %c0_i32_0 = arith.constant 0 : i32
    %c0_i32_1 = arith.constant 0 : i32
    return %arg0, %c0_i32, %c0_i32_0 : i32, i32, i32
  }
  func.func @transform_2(%arg0: i32, %arg1: memref<25xi32, #tpu.memory_space<smem>>, %arg2: memref<25xi32, #tpu.memory_space<smem>>) -> (i32, i32) {
    %c0_i32 = arith.constant 0 : i32
    %c0_i32_0 = arith.constant 0 : i32
    return %arg0, %c0_i32 : i32, i32
  }
  func.func @transform_3(%arg0: i32, %arg1: memref<25xi32, #tpu.memory_space<smem>>, %arg2: memref<25xi32, #tpu.memory_space<smem>>) -> (i32, i32) {
    %c0_i32 = arith.constant 0 : i32
    %c0_i32_0 = arith.constant 0 : i32
    %c0_i32_1 = arith.constant 0 : i32
    return %c0_i32, %c0_i32_0 : i32, i32
  }
  func.func @transform_4(%arg0: i32, %arg1: memref<25xi32, #tpu.memory_space<smem>>, %arg2: memref<25xi32, #tpu.memory_space<smem>>) -> (i32, i32) {
    %c0_i32 = arith.constant 0 : i32
    %c0_i32_0 = arith.constant 0 : i32
    %c0_i32_1 = arith.constant 0 : i32
    return %c0_i32, %c0_i32_0 : i32, i32
  }
  func.func @transform_5(%arg0: i32, %arg1: memref<25xi32, #tpu.memory_space<smem>>, %arg2: memref<25xi32, #tpu.memory_space<smem>>) -> (i32, i32) {
    %c0_i32 = arith.constant 0 : i32
    %c0_i32_0 = arith.constant 0 : i32
    %c0_i32_1 = arith.constant 0 : i32
    return %c0_i32, %c0_i32_0 : i32, i32
  }
  func.func @transform_6(%arg0: i32, %arg1: memref<25xi32, #tpu.memory_space<smem>>, %arg2: memref<25xi32, #tpu.memory_space<smem>>) -> (i32, i32) {
    %c0_i32 = arith.constant 0 : i32
    %c0_i32_0 = arith.constant 0 : i32
    %c0_i32_1 = arith.constant 0 : i32
    return %c0_i32, %c0_i32_0 : i32, i32
  }
  func.func @transform_7(%arg0: i32, %arg1: memref<25xi32, #tpu.memory_space<smem>>, %arg2: memref<25xi32, #tpu.memory_space<smem>>) -> (i32, i32) {
    %c0_i32 = arith.constant 0 : i32
    %c0_i32_0 = arith.constant 0 : i32
    %c0_i32_1 = arith.constant 0 : i32
    return %c0_i32, %c0_i32_0 : i32, i32
  }
}

module attributes {stable_mosaic.version = 14 : i64} {
  func.func @_finish_body(%arg0: memref<1024x1285xf32, #tpu.memory_space<vmem>>, %arg1: memref<32x1024xi32, #tpu.memory_space<vmem>>, %arg2: memref<1024x256xf32, #tpu.memory_space<vmem>>, %arg3: memref<1x256xf32, #tpu.memory_space<vmem>>, %arg4: memref<32x128xf32, #tpu.memory_space<vmem>>, %arg5: memref<640x256xf32, #tpu.memory_space<vmem>>, %arg6: memref<1x256xf32, #tpu.memory_space<vmem>>, %arg7: memref<256x256xf32, #tpu.memory_space<vmem>>, %arg8: memref<1x256xf32, #tpu.memory_space<vmem>>, %arg9: memref<1x256xf32, #tpu.memory_space<vmem>>, %arg10: memref<1x256xf32, #tpu.memory_space<vmem>>, %arg11: memref<1024x256xf32, #tpu.memory_space<vmem>>) attributes {dimension_semantics = [], scalar_prefetch = 0 : i64, scratch_operands = 0 : i64, tpu.core_type = #tpu.core_type<tc>} {
    %get3A = arith.constant 0 : index
    %get3A_0 = arith.constant 0 : index
    %get3A_1 = vector.load %arg0[%get3A, %get3A_0] : memref<1024x1285xf32, #tpu.memory_space<vmem>>, vector<1024x1285xf32>
    %slice3A = vector.extract_strided_slice %get3A_1 {offsets = [0, 0], sizes = [1024, 256], strides = [1, 1]} : vector<1024x1285xf32> to vector<1024x256xf32>
    %slice3A_2 = vector.extract_strided_slice %get3A_1 {offsets = [0, 1280], sizes = [1024, 1], strides = [1, 1]} : vector<1024x1285xf32> to vector<1024x1xf32>
    %eq3A = arith.constant 0.000000e+00 : f32
    %eq3A_3 = vector.broadcast %eq3A : f32 to vector<1024x1xf32>
    %eq3A_4 = arith.cmpf oeq, %slice3A_2, %eq3A_3 : vector<1024x1xf32>
    %jit3A = arith.constant 1.000000e+00 : f32
    %broadcast_in_dim3A = vector.broadcast %jit3A : f32 to vector<1024x1xf32>
    %select_n3A = arith.select %eq3A_4, %broadcast_in_dim3A, %slice3A_2 : vector<1024x1xi1>, vector<1024x1xf32>
    %div3A = vector.broadcast %select_n3A : vector<1024x1xf32> to vector<1024x256xf32>
    %div3A_5 = arith.divf %slice3A, %div3A : vector<1024x256xf32>
    %slice3A_6 = vector.extract_strided_slice %get3A_1 {offsets = [0, 256], sizes = [1024, 256], strides = [1, 1]} : vector<1024x1285xf32> to vector<1024x256xf32>
    %slice3A_7 = vector.extract_strided_slice %get3A_1 {offsets = [0, 1281], sizes = [1024, 1], strides = [1, 1]} : vector<1024x1285xf32> to vector<1024x1xf32>
    %eq3A_8 = arith.constant 0.000000e+00 : f32
    %eq3A_9 = vector.broadcast %eq3A_8 : f32 to vector<1024x1xf32>
    %eq3A_10 = arith.cmpf oeq, %slice3A_7, %eq3A_9 : vector<1024x1xf32>
    %jit3A_11 = arith.constant 1.000000e+00 : f32
    %broadcast_in_dim3A_12 = vector.broadcast %jit3A_11 : f32 to vector<1024x1xf32>
    %select_n3A_13 = arith.select %eq3A_10, %broadcast_in_dim3A_12, %slice3A_7 : vector<1024x1xi1>, vector<1024x1xf32>
    %div3A_14 = vector.broadcast %select_n3A_13 : vector<1024x1xf32> to vector<1024x256xf32>
    %div3A_15 = arith.divf %slice3A_6, %div3A_14 : vector<1024x256xf32>
    %slice3A_16 = vector.extract_strided_slice %get3A_1 {offsets = [0, 512], sizes = [1024, 256], strides = [1, 1]} : vector<1024x1285xf32> to vector<1024x256xf32>
    %slice3A_17 = vector.extract_strided_slice %get3A_1 {offsets = [0, 1282], sizes = [1024, 1], strides = [1, 1]} : vector<1024x1285xf32> to vector<1024x1xf32>
    %eq3A_18 = arith.constant 0.000000e+00 : f32
    %eq3A_19 = vector.broadcast %eq3A_18 : f32 to vector<1024x1xf32>
    %eq3A_20 = arith.cmpf oeq, %slice3A_17, %eq3A_19 : vector<1024x1xf32>
    %jit3A_21 = arith.constant 1.000000e+00 : f32
    %broadcast_in_dim3A_22 = vector.broadcast %jit3A_21 : f32 to vector<1024x1xf32>
    %select_n3A_23 = arith.select %eq3A_20, %broadcast_in_dim3A_22, %slice3A_17 : vector<1024x1xi1>, vector<1024x1xf32>
    %div3A_24 = vector.broadcast %select_n3A_23 : vector<1024x1xf32> to vector<1024x256xf32>
    %div3A_25 = arith.divf %slice3A_16, %div3A_24 : vector<1024x256xf32>
    %slice3A_26 = vector.extract_strided_slice %get3A_1 {offsets = [0, 768], sizes = [1024, 256], strides = [1, 1]} : vector<1024x1285xf32> to vector<1024x256xf32>
    %slice3A_27 = vector.extract_strided_slice %get3A_1 {offsets = [0, 1283], sizes = [1024, 1], strides = [1, 1]} : vector<1024x1285xf32> to vector<1024x1xf32>
    %eq3A_28 = arith.constant 0.000000e+00 : f32
    %eq3A_29 = vector.broadcast %eq3A_28 : f32 to vector<1024x1xf32>
    %eq3A_30 = arith.cmpf oeq, %slice3A_27, %eq3A_29 : vector<1024x1xf32>
    %jit3A_31 = arith.constant 1.000000e+00 : f32
    %broadcast_in_dim3A_32 = vector.broadcast %jit3A_31 : f32 to vector<1024x1xf32>
    %select_n3A_33 = arith.select %eq3A_30, %broadcast_in_dim3A_32, %slice3A_27 : vector<1024x1xi1>, vector<1024x1xf32>
    %div3A_34 = vector.broadcast %select_n3A_33 : vector<1024x1xf32> to vector<1024x256xf32>
    %div3A_35 = arith.divf %slice3A_26, %div3A_34 : vector<1024x256xf32>
    %concatenate3A = tpu.concatenate %div3A_5, %div3A_15, %div3A_25, %div3A_35 in 1 : vector<1024x256xf32>, vector<1024x256xf32>, vector<1024x256xf32>, vector<1024x256xf32> -> vector<1024x1024xf32>
    %get3A_36 = arith.constant 0 : index
    %get3A_37 = arith.constant 0 : index
    %get3A_38 = vector.load %arg2[%get3A_36, %get3A_37] : memref<1024x256xf32, #tpu.memory_space<vmem>>, vector<1024x256xf32>
    %dot_general3A = arith.constant dense<0.000000e+00> : vector<1024x256xf32>
    %dot_general3A_39 = tpu.matmul %concatenate3A, %get3A_38, %dot_general3A {dimension_numbers = #tpu.dot_dimension_numbers<[1], [0], [0], [1], [0, 0, 1, 1], [], []>, transpose_lhs_hint = false} : vector<1024x1024xf32>, vector<1024x256xf32>, vector<1024x256xf32> -> vector<1024x256xf32>
    %get3A_40 = arith.constant 0 : index
    %get3A_41 = arith.constant 0 : index
    %get3A_42 = vector.load %arg3[%get3A_40, %get3A_41] : memref<1x256xf32, #tpu.memory_space<vmem>>, vector<1x256xf32>
    %add3A = vector.broadcast %get3A_42 : vector<1x256xf32> to vector<1024x256xf32>
    %add3A_43 = arith.addf %dot_general3A_39, %add3A : vector<1024x256xf32>
    %slice3A_44 = vector.extract_strided_slice %get3A_1 {offsets = [0, 1024], sizes = [1024, 256], strides = [1, 1]} : vector<1024x1285xf32> to vector<1024x256xf32>
    %slice3A_45 = vector.extract_strided_slice %get3A_1 {offsets = [0, 1284], sizes = [1024, 1], strides = [1, 1]} : vector<1024x1285xf32> to vector<1024x1xf32>
    %add3A_46 = arith.constant 9.99999993E-9 : f32
    %add3A_47 = vector.broadcast %add3A_46 : f32 to vector<1024x1xf32>
    %add3A_48 = arith.addf %slice3A_45, %add3A_47 : vector<1024x1xf32>
    %div3A_49 = vector.broadcast %add3A_48 : vector<1024x1xf32> to vector<1024x256xf32>
    %div3A_50 = arith.divf %slice3A_44, %div3A_49 : vector<1024x256xf32>
    %get3A_51 = arith.constant 0 : index
    %get3A_52 = arith.constant 0 : index
    %get3A_53 = vector.load %arg1[%get3A_51, %get3A_52] : memref<32x1024xi32, #tpu.memory_space<vmem>>, vector<32x1024xi32>
    %reduce_max3A = arith.constant dense<-2147483648> : vector<1024xi32>
    %reduce_max3A_54 = vector.multi_reduction <maxsi>, %get3A_53, %reduce_max3A [0] : vector<32x1024xi32> to vector<1024xi32>
    %broadcast_in_dim3A_55 = vector.shape_cast %reduce_max3A_54 : vector<1024xi32> to vector<1x1024xi32>
    %max3A = arith.constant 0 : i32
    %max3A_56 = vector.broadcast %max3A : i32 to vector<1x1024xi32>
    %max3A_57 = arith.maxsi %broadcast_in_dim3A_55, %max3A_56 : vector<1x1024xi32>
    %jit3A_58 = arith.constant 0 : i32
    %jit3A_59 = arith.constant 31 : i32
    %max3A_60 = vector.broadcast %jit3A_58 : i32 to vector<1x1024xi32>
    %max3A_61 = arith.maxsi %max3A_60, %max3A_57 : vector<1x1024xi32>
    %min3A = vector.broadcast %jit3A_59 : i32 to vector<1x1024xi32>
    %min3A_62 = arith.minsi %min3A, %max3A_61 : vector<1x1024xi32>
    %iota3A = tpu.iota {dimensions = array<i32: 0>} : vector<32x1xi32>
    %eq3A_63 = vector.broadcast %iota3A : vector<32x1xi32> to vector<32x1024xi32>
    %eq3A_64 = vector.broadcast %min3A_62 : vector<1x1024xi32> to vector<32x1024xi32>
    %eq3A_65 = arith.cmpi eq, %eq3A_63, %eq3A_64 : vector<32x1024xi32>
    %convert_element_type3A = arith.extui %eq3A_65 : vector<32x1024xi1> to vector<32x1024xi32>
    %convert_element_type3A_66 = arith.sitofp %convert_element_type3A : vector<32x1024xi32> to vector<32x1024xf32>
    %get3A_67 = arith.constant 0 : index
    %get3A_68 = arith.constant 0 : index
    %get3A_69 = vector.load %arg4[%get3A_67, %get3A_68] : memref<32x128xf32, #tpu.memory_space<vmem>>, vector<32x128xf32>
    %dot_general3A_70 = arith.constant dense<0.000000e+00> : vector<1024x128xf32>
    %dot_general3A_71 = tpu.matmul %convert_element_type3A_66, %get3A_69, %dot_general3A_70 {dimension_numbers = #tpu.dot_dimension_numbers<[0], [0], [1], [1], [0, 1, 1, 1], [], []>, transpose_lhs_hint = false} : vector<32x1024xf32>, vector<32x128xf32>, vector<1024x128xf32> -> vector<1024x128xf32>
    %concatenate3A_72 = tpu.concatenate %add3A_43, %div3A_50, %dot_general3A_71 in 1 : vector<1024x256xf32>, vector<1024x256xf32>, vector<1024x128xf32> -> vector<1024x640xf32>
    %get3A_73 = arith.constant 0 : index
    %get3A_74 = arith.constant 0 : index
    %get3A_75 = vector.load %arg5[%get3A_73, %get3A_74] : memref<640x256xf32, #tpu.memory_space<vmem>>, vector<640x256xf32>
    %dot_general3A_76 = arith.constant dense<0.000000e+00> : vector<1024x256xf32>
    %dot_general3A_77 = tpu.matmul %concatenate3A_72, %get3A_75, %dot_general3A_76 {dimension_numbers = #tpu.dot_dimension_numbers<[1], [0], [0], [1], [0, 0, 1, 1], [], []>, transpose_lhs_hint = false} : vector<1024x640xf32>, vector<640x256xf32>, vector<1024x256xf32> -> vector<1024x256xf32>
    %get3A_78 = arith.constant 0 : index
    %get3A_79 = arith.constant 0 : index
    %get3A_80 = vector.load %arg6[%get3A_78, %get3A_79] : memref<1x256xf32, #tpu.memory_space<vmem>>, vector<1x256xf32>
    %add3A_81 = vector.broadcast %get3A_80 : vector<1x256xf32> to vector<1024x256xf32>
    %add3A_82 = arith.addf %dot_general3A_77, %add3A_81 : vector<1024x256xf32>
    %mul3A = arith.constant 5.000000e-01 : f32
    %mul3A_83 = vector.broadcast %mul3A : f32 to vector<1024x256xf32>
    %mul3A_84 = arith.mulf %mul3A_83, %add3A_82 : vector<1024x256xf32>
    %mul3A_85 = arith.constant 0.707106769 : f32
    %mul3A_86 = vector.broadcast %mul3A_85 : f32 to vector<1024x256xf32>
    %mul3A_87 = arith.mulf %add3A_82, %mul3A_86 : vector<1024x256xf32>
    %erf3A = math.erf %mul3A_87 : vector<1024x256xf32>
    %add3A_88 = arith.constant 1.000000e+00 : f32
    %add3A_89 = vector.broadcast %add3A_88 : f32 to vector<1024x256xf32>
    %add3A_90 = arith.addf %add3A_89, %erf3A : vector<1024x256xf32>
    %mul3A_91 = arith.mulf %mul3A_84, %add3A_90 : vector<1024x256xf32>
    %get3A_92 = arith.constant 0 : index
    %get3A_93 = arith.constant 0 : index
    %get3A_94 = vector.load %arg7[%get3A_92, %get3A_93] : memref<256x256xf32, #tpu.memory_space<vmem>>, vector<256x256xf32>
    %dot_general3A_95 = arith.constant dense<0.000000e+00> : vector<1024x256xf32>
    %dot_general3A_96 = tpu.matmul %mul3A_91, %get3A_94, %dot_general3A_95 {dimension_numbers = #tpu.dot_dimension_numbers<[1], [0], [0], [1], [0, 0, 1, 1], [], []>, transpose_lhs_hint = false} : vector<1024x256xf32>, vector<256x256xf32>, vector<1024x256xf32> -> vector<1024x256xf32>
    %get3A_97 = arith.constant 0 : index
    %get3A_98 = arith.constant 0 : index
    %get3A_99 = vector.load %arg8[%get3A_97, %get3A_98] : memref<1x256xf32, #tpu.memory_space<vmem>>, vector<1x256xf32>
    %add3A_100 = vector.broadcast %get3A_99 : vector<1x256xf32> to vector<1024x256xf32>
    %add3A_101 = arith.addf %dot_general3A_96, %add3A_100 : vector<1024x256xf32>
    %reduce_sum3A = arith.constant dense<0.000000e+00> : vector<1024xf32>
    %reduce_sum3A_102 = vector.multi_reduction <add>, %add3A_101, %reduce_sum3A [1] : vector<1024x256xf32> to vector<1024xf32>
    %broadcast_in_dim3A_103 = vector.shape_cast %reduce_sum3A_102 : vector<1024xf32> to vector<1024x1xf32>
    %div3A_104 = arith.constant 2.560000e+02 : f32
    %div3A_105 = vector.broadcast %div3A_104 : f32 to vector<1024x1xf32>
    %div3A_106 = arith.divf %broadcast_in_dim3A_103, %div3A_105 : vector<1024x1xf32>
    %sub3A = vector.broadcast %div3A_106 : vector<1024x1xf32> to vector<1024x256xf32>
    %sub3A_107 = arith.subf %add3A_101, %sub3A : vector<1024x256xf32>
    %integer_pow3A = arith.mulf %sub3A_107, %sub3A_107 : vector<1024x256xf32>
    %reduce_sum3A_108 = arith.constant dense<0.000000e+00> : vector<1024xf32>
    %reduce_sum3A_109 = vector.multi_reduction <add>, %integer_pow3A, %reduce_sum3A_108 [1] : vector<1024x256xf32> to vector<1024xf32>
    %broadcast_in_dim3A_110 = vector.shape_cast %reduce_sum3A_109 : vector<1024xf32> to vector<1024x1xf32>
    %div3A_111 = arith.constant 2.560000e+02 : f32
    %div3A_112 = vector.broadcast %div3A_111 : f32 to vector<1024x1xf32>
    %div3A_113 = arith.divf %broadcast_in_dim3A_110, %div3A_112 : vector<1024x1xf32>
    %sub3A_114 = vector.broadcast %div3A_106 : vector<1024x1xf32> to vector<1024x256xf32>
    %sub3A_115 = arith.subf %add3A_101, %sub3A_114 : vector<1024x256xf32>
    %add3A_116 = arith.constant 9.99999974E-6 : f32
    %add3A_117 = vector.broadcast %add3A_116 : f32 to vector<1024x1xf32>
    %add3A_118 = arith.addf %div3A_113, %add3A_117 : vector<1024x1xf32>
    %sqrt3A = math.sqrt %add3A_118 : vector<1024x1xf32>
    %div3A_119 = vector.broadcast %sqrt3A : vector<1024x1xf32> to vector<1024x256xf32>
    %div3A_120 = arith.divf %sub3A_115, %div3A_119 : vector<1024x256xf32>
    %get3A_121 = arith.constant 0 : index
    %get3A_122 = arith.constant 0 : index
    %get3A_123 = vector.load %arg9[%get3A_121, %get3A_122] : memref<1x256xf32, #tpu.memory_space<vmem>>, vector<1x256xf32>
    %mul3A_124 = vector.broadcast %get3A_123 : vector<1x256xf32> to vector<1024x256xf32>
    %mul3A_125 = arith.mulf %div3A_120, %mul3A_124 : vector<1024x256xf32>
    %get3A_126 = arith.constant 0 : index
    %get3A_127 = arith.constant 0 : index
    %get3A_128 = vector.load %arg10[%get3A_126, %get3A_127] : memref<1x256xf32, #tpu.memory_space<vmem>>, vector<1x256xf32>
    %add3A_129 = vector.broadcast %get3A_128 : vector<1x256xf32> to vector<1024x256xf32>
    %add3A_130 = arith.addf %mul3A_125, %add3A_129 : vector<1024x256xf32>
    %swap3A = arith.constant 0 : index
    %swap3A_131 = arith.constant 0 : index
    %swap3A_132 = vector.load %arg11[%swap3A, %swap3A_131] : memref<1024x256xf32, #tpu.memory_space<vmem>>, vector<1024x256xf32>
    tpu.vector_store %arg11[%swap3A, %swap3A_131], %add3A_130 {strides = array<i32>} : memref<1024x256xf32, #tpu.memory_space<vmem>>, vector<1024x256xf32>,
    return
  }
}

</mosaic_0001>

<sc_bundles>
// kernel: kernel.5.cloned.1.call-start
scs
__scs_entry_jumppad:
0x0: {  	(pc) =	sbr.rel $0x88, $3  }
0x1: {  	(tag) =	ssettag $0x0;
	lr =	simm.s32 $0x1  }
0x2: {  	[smem:$0x3F90] =	sst lr;
	_ =	strace $0xD0000000  }
0x3: {  	_ = 	snop  }
0x4: {  	_ = 	snop  }
0x5: {  	_ = 	snop  }
0x6: {  	_ = 	snop  }
0x7: {  	_ = 	snop  }
__scs_overlays_trampoline_lowered:
0x8: {  	[smem:$0x3F9F] =	sst s0  }
0x9: {  	[smem:$0x3FA0] =	sst s1  }
0xa: {  	[smem:$0x3FA1] =	sst s2  }
0xb: {  	[smem:$0x3FA2] =	sst s3  }
0xc: {  	[smem:$0x3FA3] =	sst s4  }
0xd: {  	[smem:$0x3FA4] =	sst s5  }
0xe: {  	[smem:$0x3FA5] =	sst s6  }
0xf: {  	[smem:$0x3FA6] =	sst s7  }
0x10: {  	[smem:$0x3FA7] =	sst s8  }
0x11: {  	[smem:$0x3FA8] =	sst s9;
	s0 =	simm.s32 @!p0 $0x0  }
0x12: {  	s1 =	sld [smem:$0x3F8E];
	s0 =	simm.s32 @p0 $0x1  }
0x13: {  	[smem:$0x3FA9] =	sst s0;
	s0 =	simm.s32 @!p1 $0x0  }
0x14: {  	s2 =	sld [smem:$0x3F8D];
	s0 =	simm.s32 @p1 $0x1  }
0x15: {  	[smem:$0x3FAA] =	sst s0;
	s0 =	simm.s32 @!p2 $0x0  }
0x16: {  	s3 =	sld [smem:$0x3FDB];
	s0 =	simm.s32 @p2 $0x1  }
0x17: {  	s4 =	simm.s32 $0x1BF5;
	[smem:$0x3FAC] =	sst s0  }
0x18: {  	s0 =	sld [smem:$0x3F8F];
	_ =	swait.ge [sflag:s4], $0x0  }
0x19: {  	s7 =	sld [smem:$0x3F90]  }
0x1a: {  	s8 =	sadd.s32 $0xFFFFE003, lr  }
0x1b: {  	s9 =	sadd.s32 $0xFFFFFEF7, lr;
	s5 =	simm.s32 $0xFFFFFFFF;
	p2 =	slt.u32 s8, $0xFFFFF086  }
0x1c: {  	p1 =	slt.u32 s9, $0xF7A;
	s5 =	simm.s32 @!p2 $0x0  }
0x1d: {  	s5 =	simm.s32 @p1 $0x1;
	p0 =	seq.s32 s7, s2  }
0x1e: {  	s7 =	smul.u32 @!p0 $0xF7A, s2;
	p2 =	seq.s32 @!p0 s5, $0x0  }
0x1f: {  	s9 =	smul.u32 $0xF7A, s1;
	s8 =	simm.s32 @!p0 $0x1BF5;
	p2 =	por !p2, p0  }
0x20: {  	[sflag:s8] =	ssyncset.s32 @!p0 $0xFFFFF086;
	s6 =	sadd.s32 @!p0 s3, s7;
	s7 =	simm.s32 @!p0 $0x108  }
0x21: {  	s3 =	sadd.s32 s3, s9;
	s6 =	sadd.s32 @!p0 $0x88, s6;
	s7 =	simm.s32 @p2 $0x1082  }
0x22: {  	[simem:s7], [sflag:s8] =	dma.local @!p0 [hbm:s6], $0xF7A  }
0x23: {  	s9 =	sor.u32 $0xD0000000, s2;
	s6 =	simm.s32 $0x108;
	_ =	swait.ge @!p0 [sflag:s8], $0x0  }
0x24: {  	s3 =	sadd.s32 $0x88, s3;
	s6 =	simm.s32 @!p1 $0x1082;
	[sflag:s4] =	ssyncset.s32 $0xFFFFF086  }
0x25: {  	[simem:s6], [sflag:s4] =	dma.local [hbm:s3], $0xF7A  }
0x26: {  	[smem:$0x3F90] =	sst s1;
	(tag) =	ssettag s2;
	_ =	strace s9  }
0x27: {  	s1 =	sld [smem:$0x3FA0]  }
0x28: {  	s2 =	sld [smem:$0x3FA1]  }
0x29: {  	s4 =	sld [smem:$0x3FA3]  }
0x2a: {  	p0 =	seq.s32 s5, $0x0;
	s5 =	sld [smem:$0x3FA4]  }
0x2b: {  	s6 =	sld [smem:$0x3FA5]  }
0x2c: {  	s7 =	sld [smem:$0x3FA6]  }
0x2d: {  	s3 =	simm.s32 $0x108;
	s8 =	sld [smem:$0x3FA7]  }
0x2e: {  	s3 =	simm.s32 @!p0 $0x1082;
	s9 =	sld [smem:$0x3FA8]  }
0x2f: {  	lr =	sadd.s32 s0, s3;
	s0 =	sld [smem:$0x3F9F]  }
0x30: {  	s3 =	sld [smem:$0x3FA2]  }
0x31: {  	[smem:$0x3FAB] =	sst s10  }
0x32: {  	s10 =	sld [smem:$0x3FA9];
	_ =	sdelay $0x3  }
0x33: {  	p0 =	seq.s32 s10, $0x1;
	s10 =	sld [smem:$0x3FAB];
	_ =	sdelay $0x3  }
0x34: {  	[smem:$0x3FAB] =	sst s10  }
0x35: {  	s10 =	sld [smem:$0x3FAA];
	_ =	sdelay $0x3  }
0x36: {  	p1 =	seq.s32 s10, $0x1;
	s10 =	sld [smem:$0x3FAB];
	_ =	sdelay $0x3  }
0x37: {  	[smem:$0x3FAB] =	sst s10  }
0x38: {  	s10 =	sld [smem:$0x3FAC]  }
0x39: {  	_ = 	snop;
	(pc) =	sbr.ind lr, $3  }
0x3a: {  	_ = 	snop  }
0x3b: {  	_ = 	snop  }
0x3c: {  	p2 =	seq.s32 s10, $0x1;
	s10 =	sld [smem:$0x3FAB]  }
0x3d: {  	_ =	shalt  }
0x3e: {  	_ =	shalt  }
0x3f: {  	_ =	shalt  }
0x40: {  	_ =	shalt  }
0x41: {  	_ =	shalt  }
0x42: {  	_ =	shalt  }
0x43: {  	_ =	shalt  }
0x44: {  	_ =	shalt  }
0x45: {  	_ =	shalt  }
0x46: {  	_ =	shalt  }
0x47: {  	_ =	shalt  }
0x48: {  	_ =	shalt  }
0x49: {  	_ =	shalt  }
0x4a: {  	_ =	shalt  }
0x4b: {  	_ =	shalt  }
0x4c: {  	_ =	shalt  }
0x4d: {  	_ =	shalt  }
0x4e: {  	_ =	shalt  }
0x4f: {  	_ =	shalt  }
0x50: {  	_ =	shalt  }
0x51: {  	_ =	shalt  }
0x52: {  	_ =	shalt  }
0x53: {  	_ =	shalt  }
0x54: {  	_ =	shalt  }
0x55: {  	_ =	shalt  }
0x56: {  	_ =	shalt  }
0x57: {  	_ =	shalt  }
0x58: {  	_ =	shalt  }
0x59: {  	_ =	shalt  }
0x5a: {  	_ =	shalt  }
0x5b: {  	_ =	shalt  }
0x5c: {  	_ =	shalt  }
0x5d: {  	_ =	shalt  }
0x5e: {  	_ =	shalt  }
0x5f: {  	_ =	shalt  }
0x60: {  	_ =	shalt  }
0x61: {  	_ =	shalt  }
0x62: {  	_ =	shalt  }
0x63: {  	_ =	shalt  }
0x64: {  	_ =	shalt  }
0x65: {  	_ =	shalt  }
0x66: {  	_ =	shalt  }
0x67: {  	_ =	shalt  }
0x68: {  	_ =	shalt  }
0x69: {  	_ =	shalt  }
0x6a: {  	_ =	shalt  }
0x6b: {  	_ =	shalt  }
0x6c: {  	_ =	shalt  }
0x6d: {  	_ =	shalt  }
0x6e: {  	_ =	shalt  }
0x6f: {  	_ =	shalt  }
0x70: {  	_ =	shalt  }
0x71: {  	_ =	shalt  }
0x72: {  	_ =	shalt  }
0x73: {  	_ =	shalt  }
0x74: {  	_ =	shalt  }
0x75: {  	_ =	shalt  }
0x76: {  	_ =	shalt  }
0x77: {  	_ =	shalt  }
0x78: {  	_ =	shalt  }
0x79: {  	_ =	shalt  }
0x7a: {  	_ =	shalt  }
0x7b: {  	_ =	shalt  }
0x7c: {  	_ =	shalt  }
0x7d: {  	_ =	shalt  }
0x7e: {  	_ =	shalt  }
0x7f: {  	_ =	shalt  }
0x80: {  	_ =	shalt  }
0x81: {  	_ =	shalt  }
0x82: {  	_ =	shalt  }
0x83: {  	_ =	shalt  }
0x84: {  	_ =	shalt  }
0x85: {  	_ =	shalt  }
0x86: {  	_ =	shalt  }
0x87: {  	_ =	shalt  }
.Lfunc_end0:
.L_simem_size_0:
called_computation_lowered:
.L_overlay_start_0:
0x88: {  	s2 =	sld [smem:$0x3FD9]  }
0x89: {  	s3 =	sld [smem:$0x3FFE];
	_ =	sdelay $0x1  }
0x8a: {  	s1 =	srdreg.scid  }
0x8b: {  	s0 =	sand.u32 $0x1, s1  }
0x8c: {  	s17 =	sshll.u32 s0, $0xA;
	s2 =	sadd.s32 s3, s2  }
0x8d: {  	s2 =	sadd.s32 s2, s17  }
0x8e: {  	[smem:$0x3FB7] =	sst s2  }
0x8f: {  	_ = 	snop  }
0x90: {  	s2 =	sld [smem:$0x3FD0];
	(tm) =	ssettm $0x1  }
0x91: {  	s18 =	sld [smem:$0x3FFB];
	_ =	sdelay $0x3  }
0x92: {  	_ =	strace s18  }
0x93: {  	s3 =	sld [smem:$0x3FFC];
	_ =	sdelay $0x3  }
0x94: {  	_ =	strace s3  }
0x95: {  	s3 =	sld [smem:$0x3FFD];
	_ =	sdelay $0x3  }
0x96: {  	_ =	strace s3  }
0x97: {  	_ =	strace $0x8FFFFFFF  }
0x98: {  	s19 =	sld [smem:$0x3FDB];
	_ =	sdelay $0x1  }
0x99: {  	s4 =	simm.s32 $_scs_section_size  }
0x9a: {  	s5 =	simm.s32 $_size__tile_overlayer_lowered;
	s6 =	simm.s32 $_tile_overlayer_lowered  }
0x9b: {  	s22 =	simm.s32 $0x1BFF;
	s21 =	sshll.u32 s6, $0x1;
	s3 =	sadd.s32 s4, s19  }
0x9c: {  	s7 =	simm.s32 $0x0;
	s20 =	sshll.u32 s5, $0x1;
	s5 =	sadd.s32 s21, s3  }
0x9d: {  	[timem:s7], [sflag:s22] =	dma.local [hbm:s5], s20  }
0x9e: {  	_ =	swait.ge [sflag:s22], s20  }
0x9f: {  	s4 =	ssub.s32 $0x0, s20;
	[sflag:s22] =	ssyncset.done $0x0  }
0xa0: {  	[sflag:s22] =	ssyncadd.s32 s4;
	_ =	sdelay $0x1  }
0xa1: {  	s23 =	simm.s32 $0x1B8B  }
0xa2: {  	_ =	swait.ge [sflag:s23], $0x1  }
0xa3: {  	[sflag:s23] =	ssyncset.done $0x0  }
0xa4: {  	s25 =	simm.s32 $0x1B8E;
	s24 =	sld [smem:$0x3FFE];
	[sflag:s23] =	ssyncadd.s32 $0xFFFFFFFF  }
0xa5: {  	s26 =	simm.s32 $execute0_lowered;
	[smem:$0x3FD2] =	sst s25  }
0xa6: {  	s5 =	sshll.u32 s26, $0x1;
	_ =	strace $0x80000046;
	[dreg:$0x1] =	wrdreg $0xFFFFFFFF  }
0xa7: {  	s28 =	simm.s32 $_size_execute0_lowered;
	s3 =	sadd.s32 s3, s5;
	[dreg:$0x0] =	wrdreg $0x0  }
0xa8: {  	s5 =	sshll.u32 s28, $0x1;
	[dreg:$0x2] =	wrdreg s3  }
0xa9: {  	[dreg:$0x3] =	wrdreg s5  }
0xaa: {  	[dreg:$0x4] =	wrdreg $0xC0  }
0xab: {  	_ =	task [dreg:s7], $0x5FFFF  }
0xac: {  	[dreg:$0x1] =	wrdreg $0xFFFFFFFF  }
0xad: {  	[dreg:$0x0] =	wrdreg $0x60  }
0xae: {  	[dreg:$0x2] =	wrdreg s2  }
0xaf: {  	[dreg:$0x3] =	wrdreg s24  }
0xb0: {  	[dreg:$0x4] =	wrdreg $0x9  }
0xb1: {  	_ =	task.clear_ibuf [dreg:s7], $0x5FFFF;
	_ =	strace $0x90000046  }
0xb2: {  	s29 =	simm.s32 $0x9;
	_ =	strace $0x80000048  }
0xb3: {  	_ =	swait.ge [sflag:s29], $0x1  }
0xb4: {  	[sflag:s29] =	ssyncadd.s32 $0xFFFFFFFF  }
0xb5: {  	_ =	strace $0x90000048  }
0xb6: {  	_ =	sfence  }
0xb7: {  	s30 =	sld [smem:$0x0];
	_ =	sdelay $0x2  }
0xb8: {  	s31 =	sshll.u32 s1, $0xD;
	s1 =	sshrl.u32 s1, $0x2  }
0xb9: {  	s3 =	sand.u32 $0x4000, s31;
	s1 =	sadd.s32 s1, s30  }
0xba: {  	s0 =	sor.u32 s3, s0;
	s1 =	sshll.u32 s1, $0x11  }
0xbb: {  	s0 =	sor.u32 s1, s0  }
0xbc: {  	s0 =	sadd.s32 $0x8F2B, s0  }
0xbd: {  	[sflag:s0] =	ssyncadd.remote.s32 $0x1  }
0xbe: {  	_ =	sfence.sel $0xFFFF  }
0xbf: {  	[dreg:$0x0] =	wrdreg $0xFFFFFFFF;
	(pc) =	sbr.abs _section_cstart, $3  }
0xc0: {  	[dreg:$0x1] =	wrdreg $0xFFFFFFFF  }
0xc1: {  	_ =	task.clear_ibuf [dreg:s7], $0x2FFFF;
	_ =	strace $0x9FFFFFFF  }
0xc2: {  	(tm) =	ssettm $0x7FFFFFFF  }
0xc3: {  	_ =	shalt  }
tec
execute0_lowered:
.L_overlay_start_1:
0x0: {  	(tag) =	ssettag $0x1  }
0x1: {  	s1 =	srdreg.scid;
	s3 =	rddreg [dreg:$0x0]  }
0x2: {  	s0 =	stileid.u32;
	s5 =	rddreg [dreg:$0x1];
	s2 =	simm.s32 $0x0  }
0x3: {  	s11 =	simm.s32 $0x1900;
	s4 =	sand.u32 $0x1, s1;
	s29 =	sshll.u32 s0, $0x1  }
0x4: {  	s12 =	simm.s32 $0x0;
	s1 =	rddreg [dreg:$0x2];
	s6 =	sor.u32 s4, s29  }
0x5: {  	[smem:$0x7FF] =	sst s2;
	s9 =	sshll.u32 s0, $0x8;
	s7 =	smul.u32 $0xC35, s6  }
0x6: {  	_ =	strace $0x80000047;
	s9 =	sand.u32 $0xC00, s9;
	s4 =	ssub.s32 $0x2, s4  }
0x7: {  	s30 =	sshrl.u32 s4, $0x1;
	s6 =	sshll.u32 s6, $0x4;
	s8 =	sshrl.u32 s7, $0x3  }
0x8: {  	s6 =	sand.u32 $0x70, s6;
	s7 =	sand.u32 $0x7, s7;
	s10 =	sadd.s32 s8, s5  }
0x9: {  	s5 =	sadd.s32 s9, s5;
	s9 =	ssub.s32 s4, s30;
	s3 =	sadd.s32 s3, s8  }
0xa: {  	s31 =	sadd.s32 $0xC35, s7;
	v0 =	vmov s7;
	s7 =	simm.s32 $0x1;
	s8 =	simm.s32 $0xC80  }
0xb: {  	v1 =	vlaneseq.u32;
	s4 =	sadd.s32 $0x1000, s10;
	s5 =	sadd.s32 s6, s5;
	s6 =	smax.u32 s9, $0x1  }
0xc: {  	v3 =	vimm.s32 $0xFFFFFFFF;
	v4 =	vmul.u32 $0x400, v1;
	s9 =	simm.s32 $0x80;
	v2 =	vmov s31;
	s10 =	simm.s32 $0x400;
	s5 =	sadd.s32 $0x4200, s5  }
.LBB2_1:
0xd: {  	[tilespmem:s2], [sflag:$0x1] =	stream.linear.gather [hbm4b:s3+s2], $0xC40, $0x38;
	[tilespmem:$0x5900] =	vst v63  }
0xe: {  	_ =	swait.ge [sflag:s7], $0xC40  }
0xf: {  	[sflag:s7] =	ssyncset.done $0x0  }
0x10: {  	[sflag:s7] =	ssyncadd.s32 $0xFFFFF3C0  }
0x11: {  	[tilespmem:s8], [sflag:$0x1] =	stream.linear.gather [hbm4b:s4+s2], $0xC40, $0x38;
	[tilespmem:$0x5900] =	vst v63  }
0x12: {  	_ =	swait.ge [sflag:s7], $0xC40  }
0x13: {  	[sflag:s7] =	ssyncset.done $0x0  }
0x14: {  	s13 =	simm.s32 $0x0;
	s14 =	simm.s32 $0x200;
	[sflag:s7] =	ssyncadd.s32 $0xFFFFF3C0  }
.LBB2_2:
0x15: {  	p0 =	sne.s32 s14, $0xFE00;
	[tilespmem:s13+$0x1970] =	vst v3  }
0x16: {  	[tilespmem:s13+$0x1900] =	vst v3  }
0x17: {  	[tilespmem:s13+$0x1910] =	vst v3  }
.Ltmp0:
0x18: {  	[tilespmem:s13+$0x1920] =	vst v3;
	(pc) =	sbr.rel @p0 .LBB2_2-.Ltmp0, $4  }
0x19: {  	[tilespmem:s13+$0x1930] =	vst v3  }
0x1a: {  	[tilespmem:s13+$0x1940] =	vst v3  }
0x1b: {  	[tilespmem:s13+$0x1950] =	vst v3  }
0x1c: {  	[tilespmem:s13+$0x1960] =	vst v3;
	s13 =	sshra.s32 s14, $0x2;
	s14 =	sadd.s32 $0x200, s14  }
0x1d: {  	[tilespmem:s13+$0x1970] =	vst v3  }
0x1e: {  	[tilespmem:s13+$0x1900] =	vst v3  }
0x1f: {  	[tilespmem:s13+$0x1910] =	vst v3  }
0x20: {  	[tilespmem:s13+$0x1920] =	vst v3  }
0x21: {  	[tilespmem:s13+$0x1930] =	vst v3  }
0x22: {  	[tilespmem:s13+$0x1940] =	vst v3  }
0x23: {  	[tilespmem:s13+$0x1950] =	vst v3  }
0x24: {  	[tilespmem:s13+$0x1960] =	vst v3;
	s14 =	simm.s32 $0x0  }
0x25: {  	v5 =	vld [tilespmem:s14+$0x0];
	_ =	sdelay $0x4  }
0x26: {  	vm0 =	vgt.s32 v5, $0x0  }
0x27: {  	v6 =	vor.u32 s14, v1;
	v5 =	vnsel vm0, $0x0, v5  }
0x28: {  	vm14 =	vge.u32 v6, v0;
	vm1 =	vlt.u32 v6, v2;
	v5 =	vmin.u32 v5, $0x3FF  }
0x29: {  	vm0 =	vmand vm14, vm1;
	v5 =	vor.u32 v4, v5  }
0x2a: {  	v5 =	vsel vm0, v5, v4;
	_ =	sdelay $0x2  }
0x2b: {  	s13 =	simm.s32 $0xC80  }
0x2c: {  	s15 =	simm.s32 $0x1900;
	v6 =	vld [tilespmem:s13+$0x0]  }
0x2d: {  	v7 =	vld.idx.msk [tilespmem:v5+s15+$0x0], vm0;
	_ =	sdelay $0x3  }
0x2e: {  	v6 =	vnsel vm0, $0xFFFFFFFF, v6  }
0x2f: {  	vm15 =	vgt.s32 v7, v6  }
0x30: {  	v6 =	vsel vm15, v7, v6  }
0x31: {  	s16 =	simm.s32 $0x10;
	[tilespmem:v5+s15+$0x0] =	vst.idx.msk vm0, v6  }
0x32: {  	s17 =	simm.s32 $0x20;
	s18 =	simm.s32 $0x10;
	v5 =	vld [tilespmem:s16+$0x0]  }
.LBB2_4:
0x33: {  	p0 =	sne.s32 s17, $0xC30;
	_ =	sdelay $0x3  }
0x34: {  	vm0 =	vgt.s32 v5, $0x0  }
0x35: {  	v6 =	vor.u32 s16, v1;
	s16 =	smov.u32 s17;
	v5 =	vnsel vm0, $0x0, v5  }
0x36: {  	vm1 =	vlt.u32 v6, v2;
	vm0 =	vge.u32 v6, v0;
	v5 =	vmin.u32 v5, $0x3FF  }
0x37: {  	vm0 =	vmand vm0, vm1;
	v5 =	vor.u32 v4, v5  }
0x38: {  	v5 =	vsel vm0, v5, v4;
	_ =	sdelay $0x2  }
0x39: {  	s13 =	sadd.s32 $0x10, s13  }
0x3a: {  	v6 =	vld [tilespmem:s13+$0x0]  }
0x3b: {  	v7 =	vld.idx.msk [tilespmem:v5+s15+$0x0], vm0;
	_ =	sdelay $0x4  }
.Ltmp1:
0x3c: {  	v6 =	vnsel vm0, $0xFFFFFFFF, v6;
	(pc) =	sbr.rel @p0 .LBB2_4-.Ltmp1, $4  }
0x3d: {  	vm1 =	vgt.s32 v7, v6  }
0x3e: {  	v6 =	vsel vm1, v7, v6  }
0x3f: {  	s18 =	sadd.s32 $0x10, s18;
	[tilespmem:v5+s15+$0x0] =	vst.idx.msk vm0, v6  }
0x40: {  	s17 =	sadd.s32 $0x10, s17;
	v5 =	vld [tilespmem:s18+$0x0]  }
0x41: {  	_ =	sdelay $0x3  }
0x42: {  	vm0 =	vgt.s32 v5, $0x0  }
0x43: {  	v6 =	vor.u32 s16, v1;
	v5 =	vnsel vm0, $0x0, v5  }
0x44: {  	vm14 =	vge.u32 v6, v0;
	vm1 =	vlt.u32 v6, v2;
	v5 =	vmin.u32 v5, $0x3FF  }
0x45: {  	vm0 =	vmand vm14, vm1;
	v5 =	vor.u32 v4, v5  }
0x46: {  	v5 =	vsel vm0, v5, v4;
	_ =	sdelay $0x2  }
0x47: {  	s13 =	sadd.s32 $0x10, s13  }
0x48: {  	v6 =	vld [tilespmem:s13+$0x0];
	s13 =	simm.s32 $0x1900  }
0x49: {  	v7 =	vld.idx.msk [tilespmem:v5+s13+$0x0], vm0;
	_ =	sdelay $0x3  }
0x4a: {  	v6 =	vnsel vm0, $0xFFFFFFFF, v6  }
0x4b: {  	vm15 =	vgt.s32 v7, v6  }
0x4c: {  	v6 =	vsel vm15, v7, v6  }
0x4d: {  	s14 =	sand.u32 $0x3F0, s14;
	[tilespmem:v5+s13+$0x0] =	vst.idx.msk vm0, v6  }
0x4e: {  	s15 =	simm.s32 $0x10;
	v5 =	vld [tilespmem:s14+$0x1D00]  }
.LBB2_6:
0x4f: {  	p0 =	sne.s32 s15, $0x3F0;
	v6 =	vld [tilespmem:s13+$0x0];
	_ =	sdelay $0x1  }
0x50: {  	v7 =	vld [tilespmem:s14+$0x2100];
	_ =	sdelay $0x1  }
0x51: {  	v8 =	vld [tilespmem:s14+$0x2500]  }
0x52: {  	vm0 =	vgt.s32 v6, v5  }
0x53: {  	v5 =	vsel vm0, v6, v5;
	v6 =	vld [tilespmem:s14+$0x2900]  }
0x54: {  	vm0 =	vgt.s32 v5, v7  }
0x55: {  	v5 =	vsel vm0, v5, v7;
	v7 =	vld [tilespmem:s14+$0x2D00]  }
0x56: {  	vm0 =	vgt.s32 v5, v8  }
0x57: {  	v5 =	vsel vm0, v5, v8;
	v8 =	vld [tilespmem:s14+$0x3100]  }
0x58: {  	vm0 =	vgt.s32 v5, v6  }
0x59: {  	v5 =	vsel vm0, v5, v6;
	v6 =	vld [tilespmem:s14+$0x3500]  }
0x5a: {  	vm0 =	vgt.s32 v5, v7  }
0x5b: {  	v5 =	vsel vm0, v5, v7;
	v7 =	vld [tilespmem:s14+$0x3900]  }
0x5c: {  	vm0 =	vgt.s32 v5, v8  }
0x5d: {  	v5 =	vsel vm0, v5, v8;
	v8 =	vld [tilespmem:s14+$0x3D00]  }
0x5e: {  	vm0 =	vgt.s32 v5, v6  }
0x5f: {  	v5 =	vsel vm0, v5, v6;
	v6 =	vld [tilespmem:s14+$0x4100]  }
0x60: {  	vm0 =	vgt.s32 v5, v7  }
0x61: {  	v5 =	vsel vm0, v5, v7;
	v7 =	vld [tilespmem:s14+$0x4500]  }
0x62: {  	vm0 =	vgt.s32 v5, v8  }
0x63: {  	v5 =	vsel vm0, v5, v8;
	v8 =	vld [tilespmem:s14+$0x4900]  }
0x64: {  	vm0 =	vgt.s32 v5, v6  }
0x65: {  	v5 =	vsel vm0, v5, v6;
	v6 =	vld [tilespmem:s14+$0x4D00]  }
0x66: {  	vm0 =	vgt.s32 v5, v7  }
0x67: {  	v5 =	vsel vm0, v5, v7;
	v7 =	vld [tilespmem:s14+$0x5100]  }
0x68: {  	vm0 =	vgt.s32 v5, v8  }
0x69: {  	v5 =	vsel vm0, v5, v8;
	v8 =	vld [tilespmem:s14+$0x5500]  }
0x6a: {  	vm0 =	vgt.s32 v5, v6  }
0x6b: {  	v5 =	vsel vm0, v5, v6  }
0x6c: {  	vm0 =	vgt.s32 v5, v7  }
.Ltmp2:
0x6d: {  	v5 =	vsel vm0, v5, v7;
	(pc) =	sbr.rel @p0 .LBB2_6-.Ltmp2, $4  }
0x6e: {  	vm0 =	vgt.s32 v5, v8  }
0x6f: {  	v5 =	vsel vm0, v5, v8  }
0x70: {  	s14 =	sand.u32 $0x3F0, s15;
	[tilespmem:s13+$0x0] =	vst v5  }
0x71: {  	s15 =	sadd.s32 $0x10, s15;
	s13 =	sadd.s32 $0x10, s13;
	v5 =	vld [tilespmem:s14+$0x1D00]  }
0x72: {  	v6 =	vld [tilespmem:s13+$0x0];
	_ =	sdelay $0x1  }
0x73: {  	v7 =	vld [tilespmem:s14+$0x2100];
	_ =	sdelay $0x1  }
0x74: {  	v8 =	vld [tilespmem:s14+$0x2500]  }
0x75: {  	vm0 =	vgt.s32 v6, v5  }
0x76: {  	v5 =	vsel vm0, v6, v5;
	v6 =	vld [tilespmem:s14+$0x2900]  }
0x77: {  	vm0 =	vgt.s32 v5, v7  }
0x78: {  	v5 =	vsel vm0, v5, v7;
	v7 =	vld [tilespmem:s14+$0x2D00]  }
0x79: {  	vm0 =	vgt.s32 v5, v8  }
0x7a: {  	v60 =	vld [tilespmem:s14+$0x3100];
	v5 =	vsel vm0, v5, v8  }
0x7b: {  	vm0 =	vgt.s32 v5, v6  }
0x7c: {  	v5 =	vsel vm0, v5, v6;
	v6 =	vld [tilespmem:s14+$0x3500]  }
0x7d: {  	vm0 =	vgt.s32 v5, v7  }
0x7e: {  	v5 =	vsel vm0, v5, v7;
	v7 =	vld [tilespmem:s14+$0x3900]  }
0x7f: {  	vm0 =	vgt.s32 v5, v60  }
0x80: {  	v61 =	vld [tilespmem:s14+$0x3D00];
	v5 =	vsel vm0, v5, v60  }
0x81: {  	vm0 =	vgt.s32 v5, v6  }
0x82: {  	v5 =	vsel vm0, v5, v6;
	v6 =	vld [tilespmem:s14+$0x4100]  }
0x83: {  	vm0 =	vgt.s32 v5, v7  }
0x84: {  	v5 =	vsel vm0, v5, v7;
	v7 =	vld [tilespmem:s14+$0x4500]  }
0x85: {  	vm0 =	vgt.s32 v5, v61  }
0x86: {  	v62 =	vld [tilespmem:s14+$0x4900];
	v5 =	vsel vm0, v5, v61  }
0x87: {  	vm0 =	vgt.s32 v5, v6  }
0x88: {  	v5 =	vsel vm0, v5, v6;
	v6 =	vld [tilespmem:s14+$0x4D00]  }
0x89: {  	vm0 =	vgt.s32 v5, v7  }
0x8a: {  	v5 =	vsel vm0, v5, v7;
	v7 =	vld [tilespmem:s14+$0x5100]  }
0x8b: {  	vm0 =	vgt.s32 v5, v62  }
0x8c: {  	v63 =	vld [tilespmem:s14+$0x5500];
	v5 =	vsel vm0, v5, v62  }
0x8d: {  	vm0 =	vgt.s32 v5, v6  }
0x8e: {  	v5 =	vsel vm0, v5, v6  }
0x8f: {  	vm0 =	vgt.s32 v5, v7  }
0x90: {  	v5 =	vsel vm0, v5, v7  }
0x91: {  	s12 =	sadd.s32 $0x1, s12;
	vm0 =	vgt.s32 v5, v63  }
0x92: {  	p0 =	sne.s32 s12, s6;
	v5 =	vsel vm0, v5, v63  }
.Ltmp3:
0x93: {  	[tilespmem:s13+$0x0] =	vst v5;
	(pc) =	sbr.rel @p0 .LBB2_1-.Ltmp3, $4  }
0x94: {  	[hbm4b:s5+s9] =	stream.strided.scatter [tilespmem:s11], [sflag:$0x1], $0x400, s10, s9, $0x38;
	[tilespmem:$0x5900] =	vst v63  }
0x95: {  	_ =	swait.ge [sflag:s7], $0x400  }
0x96: {  	[sflag:s7] =	ssyncset.done $0x0  }
0x97: {  	[sflag:s7] =	ssyncadd.s32 $0xFFFFFC00  }
0x98: {  	_ =	sfence.sel $0x180000  }
0x99: {  	[bflag:$0x0] =	sbarrier.arrive $0xFFFF  }
0x9a: {  	p0 =	sne.s32 s0, $0x0;
	_ =	strace $0x90000047  }
0x9b: {  	s0 =	sadd.s32 @!p0 $0x100000, s1;
	[bflag:$0x2] =	sbarrier.arrive $0xFFFF  }
0x9c: {  	[sflag:s0] =	ssyncadd.tile.s32 @!p0 $0x1;
	_ =	shalt  }
.Lfunc_end2:
_tile_overlayer_lowered:
.L_overlay_start_2:
0x9d: {  	(tag) =	ssettag $0x2  }
0x9e: {  	s0 =	rddreg [dreg:$0x0];
	s2 =	stileid.u32  }
0x9f: {  	s1 =	rddreg [dreg:$0x1];
	p0 =	sne.s32 s2, $0x0  }
0xa0: {  	s3 =	rddreg [dreg:$0x2];
	[bflag:$0x3] =	sbarrier.arrive $0xFFFF;
	s2 =	simm.s32 @!p0 $0x1C01  }
0xa1: {  	[timem:s3], [sflag:s2] =	dma.local @!p0 [hbm:s0], s1  }
0xa2: {  	s0 =	simm.s32 @!p0 $0x1  }
0xa3: {  	_ =	swait.ge @!p0 [sflag:s0], s1  }
0xa4: {  	s1 =	ssub.s32 @!p0 $0x0, s1;
	[sflag:s0] =	ssyncset.done @!p0 $0x0  }
0xa5: {  	[sflag:s0] =	ssyncadd.s32 @!p0 s1  }
0xa6: {  	[bflag:$0x3] =	sbarrier.arrive $0xFFFF  }
0xa7: {  	_ =	shalt  }

</sc_bundles>
